<compile_context>
chip_gen: v7x
topology: tpu7x:2x2x1
jax: 0.10.2.dev20260603
libtpu: 0.0.44.dev20260713+nightly
codegen_flags: <defaults>
</compile_context>

<pallas_src>
import functools

import jax
import jax.numpy as jnp
import numpy as np
from jax import lax
from jax.experimental import pallas as pl
from jax.experimental.pallas import tpu as pltpu
from jax.experimental.pallas import tpu_sc as plsc

QB = 256
CB = 1024
K = 10
KPAD = 16
FBIG = np.float32(1e30)

SC_NC = 2
SC_NS = 16
SC_NW = SC_NC * SC_NS


def _topk_body(q_ref, c_ref, cn_ref, idx_ref, val_ref):
    j = pl.program_id(1)

    @pl.when(j == 0)
    def _init():
        idx_ref[...] = jnp.full(idx_ref.shape, FBIG, jnp.float32)
        val_ref[...] = jnp.full(val_ref.shape, jnp.inf, jnp.float32)

    q = q_ref[...]
    c = c_ref[...]
    cn = cn_ref[0]
    lgid = lax.broadcasted_iota(jnp.int32, (1, CB), 1).astype(jnp.float32)
    qc = lax.dot_general(q, c, (((1,), (1,)), ((), ())),
                         preferred_element_type=jnp.float32)
    score = jnp.where(cn != jnp.inf, cn - 2.0 * qc, jnp.inf)

    runv = val_ref[...]
    runi = idx_ref[...]
    thresh = runv[:, K - 1:K]
    hits = score < thresh
    nmax = jnp.minimum(jnp.max(jnp.sum(hits.astype(jnp.float32), axis=1)),
                       float(K)).astype(jnp.int32)
    ms = jnp.where(hits, score, jnp.inf)
    gidb = jnp.broadcast_to(lgid, score.shape)
    lidx = lax.broadcasted_iota(jnp.int32, (QB, KPAD), 1)
    base = (j * CB).astype(jnp.float32)

    def round_body(_, carry):
        ms, runv, runi = carry
        m = jnp.min(ms, axis=1, keepdims=True)
        isel = jnp.min(jnp.where(ms == m, gidb, FBIG), axis=1,
                       keepdims=True)
        ms = jnp.where(gidb == isel, jnp.inf, ms)
        pos = jnp.sum((runv <= m).astype(jnp.int32), axis=1, keepdims=True)
        shv = jnp.concatenate([runv[:, :1], runv[:, :KPAD - 1]], axis=1)
        shi = jnp.concatenate([runi[:, :1], runi[:, :KPAD - 1]], axis=1)
        runv = jnp.where(lidx < pos, runv,
                         jnp.where(lidx == pos, m, shv))
        runi = jnp.where(lidx < pos, runi,
                         jnp.where(lidx == pos, base + isel, shi))
        return ms, runv, runi

    _, runv, runi = lax.fori_loop(0, nmax, round_body, (ms, runv, runi))
    val_ref[...] = runv
    idx_ref[...] = runi


def _cosine_body(ne_ref, nb_ref, qe_ref, qb_ref, tab_ref, mean_ref):
    ne = ne_ref[...]
    nb = nb_ref[...]
    qe = qe_ref[...]
    qb = qb_ref[...]

    def cos(a, q):
        num = jnp.sum(a * q[:, None, :], axis=-1)
        den = jnp.sqrt(jnp.sum(a * a, axis=-1)) * \
            jnp.sqrt(jnp.sum(q * q, axis=-1))[:, None]
        return num / jnp.maximum(den, 1e-8)

    co = cos(ne, qe)
    cb = cos(nb, qb)
    tab = jnp.where(co > cb, co, cb)
    tab_ref[...] = tab
    mean_ref[...] = jnp.mean(tab, axis=-1, keepdims=True)


def _make_topk_call(n1, d, ncb):
    return pl.pallas_call(
        _topk_body,
        grid=(n1 // QB, ncb),
        in_specs=[
            pl.BlockSpec((QB, d), lambda i, j: (i, 0)),
            pl.BlockSpec((CB, d), lambda i, j: (j, 0)),
            pl.BlockSpec((1, 1, CB), lambda i, j: (j, 0, 0)),
        ],
        out_specs=[
            pl.BlockSpec((QB, KPAD), lambda i, j: (i, 0)),
            pl.BlockSpec((QB, KPAD), lambda i, j: (i, 0)),
        ],
        out_shape=[
            jax.ShapeDtypeStruct((n1, KPAD), jnp.float32),
            jax.ShapeDtypeStruct((n1, KPAD), jnp.float32),
        ],
        compiler_params=pltpu.CompilerParams(
            dimension_semantics=("parallel", "arbitrary")),
    )


def _make_cosine_call(n1, d):
    return pl.pallas_call(
        _cosine_body,
        grid=(n1 // QB,),
        in_specs=[
            pl.BlockSpec((QB, K, d), lambda i: (i, 0, 0)),
            pl.BlockSpec((QB, K, d), lambda i: (i, 0, 0)),
            pl.BlockSpec((QB, d), lambda i: (i, 0)),
            pl.BlockSpec((QB, d), lambda i: (i, 0)),
        ],
        out_specs=[
            pl.BlockSpec((QB, K), lambda i: (i, 0)),
            pl.BlockSpec((QB, 1), lambda i: (i, 0)),
        ],
        out_shape=[
            jax.ShapeDtypeStruct((n1, K), jnp.float32),
            jax.ShapeDtypeStruct((n1, 1), jnp.float32),
        ],
    )


def _make_sc_gather(nrows, d, bpw):
    chunks = []
    off = 0
    while off < bpw:
        sz = min(128, bpw - off)
        chunks.append((off, sz))
        off += sz
    mesh = plsc.VectorSubcoreMesh(core_axis_name="c", subcore_axis_name="s")

    @functools.partial(
        pl.kernel,
        mesh=mesh,
        out_type=[
            jax.ShapeDtypeStruct((nrows, d), jnp.float32),
            jax.ShapeDtypeStruct((nrows, d), jnp.float32),
        ],
        scratch_types=[
            pltpu.VMEM((bpw,), jnp.int32),
            pltpu.VMEM((bpw, d), jnp.float32),
            pltpu.VMEM((bpw, d), jnp.float32),
            pltpu.SemaphoreType.DMA,
            pltpu.SemaphoreType.DMA,
        ],
    )
    def _gather(emb_hbm, bert_hbm, idx_hbm, oute_hbm, outb_hbm,
                idx_v, re_v, rb_v, se, sb):
        wid = lax.axis_index("s") * SC_NC + lax.axis_index("c")
        base = wid * bpw
        pltpu.sync_copy(idx_hbm.at[pl.ds(base, bpw)], idx_v)
        for off, sz in chunks:
            ce = pltpu.async_copy(emb_hbm.at[idx_v.at[pl.ds(off, sz)]],
                                  re_v.at[pl.ds(off, sz)], se)
            cb = pltpu.async_copy(bert_hbm.at[idx_v.at[pl.ds(off, sz)]],
                                  rb_v.at[pl.ds(off, sz)], sb)
            ce.wait()
            cb.wait()
        pltpu.sync_copy(re_v, oute_hbm.at[pl.ds(base, bpw)])
        pltpu.sync_copy(rb_v, outb_hbm.at[pl.ds(base, bpw)])

    return _gather


def kernel(query_emb, query_bert, candidate_emb, candidate_bert, k,
           batch_size):
    n1, d = query_emb.shape
    n2 = candidate_emb.shape[0]
    ncb = -(-n2 // CB)
    n2p = ncb * CB

    cnrow = jnp.full((n2p,), jnp.inf, jnp.float32).at[:n2].set(
        jnp.sum(candidate_emb * candidate_emb, axis=1)).reshape(ncb, 1, CB)

    idx16, _ = _make_topk_call(n1, d, ncb)(query_emb, candidate_emb, cnrow)

    residual = ((jnp.asarray(k) - K) +
                (jnp.asarray(batch_size) - QB)).astype(jnp.int32)
    top_k_indexes = idx16[:, :K].astype(jnp.int32) + residual

    flat_idx = jnp.clip(top_k_indexes.reshape(-1), 0, n2 - 1)
    ne_flat, nb_flat = _make_sc_gather(n1 * K, d, n1 * K // SC_NW)(
        candidate_emb, candidate_bert, flat_idx)

    tab, mean = _make_cosine_call(n1, d)(
        ne_flat.reshape(n1, K, d), nb_flat.reshape(n1, K, d),
        query_emb, query_bert)
    return top_k_indexes, tab, mean.reshape(n1)

# --- scband reference (transcript-rebuilt; emitter-appended) ---
"""Pipeline reference for scband-ssaga-45440753991874 (READ-ONLY COPY).

The authoritative reference and input builder live on the scoring server;
editing this copy changes nothing except your own understanding.
"""

import jax, jax.numpy as jnp
import numpy as np


def knn_distance_batch(q, c):
    # Equivalent to torch.norm(q[:,None,:] - c[None,:,:], dim=2) but computed via the
    # algebraic expansion ||q-c||^2 = ||q||^2 + ||c||^2 - 2 q.c so the [B, N2, d]
    # difference tensor is never materialized (same math, matmul-dominated).
    qn = jnp.sum(q * q, axis=1, keepdims=True)          # [B, 1]
    cn = jnp.sum(c * c, axis=1, keepdims=True).T        # [1, N2]
    d2 = qn + cn - 2.0 * (q @ c.T)                      # [B, N2]
    return jnp.sqrt(jnp.maximum(d2, 0.0))


def cosine_sim(a, b, eps=1e-8):
    # a: [N, k, d], b: [N, 1, d]  (mirrors F.cosine_similarity(..., dim=-1))
    num = jnp.sum(a * b, axis=-1)
    den = jnp.linalg.norm(a, axis=-1) * jnp.linalg.norm(b, axis=-1)
    return num / jnp.maximum(den, eps)


def setup_inputs(seed: int = 0) -> dict:
    key = jax.random.key(seed)
    k1, k2, k3, k4 = jax.random.split(key, 4)
    query_emb = jax.random.normal(k1, (1024, 128), dtype=jnp.float32)
    query_bert = jax.random.normal(k2, (1024, 128), dtype=jnp.float32)
    candidate_emb = jax.random.normal(k3, (100000, 128), dtype=jnp.float32)
    candidate_bert = jax.random.normal(k4, (100000, 128), dtype=jnp.float32)
    return {
        "query_emb": query_emb,
        "query_bert": query_bert,
        "candidate_emb": candidate_emb,
        "candidate_bert": candidate_bert,
        "k": 10,
        "batch_size": 256,
    }


def reference(query_emb, query_bert, candidate_emb, candidate_bert, k, batch_size):
    n1 = query_emb.shape[0]
    bs_static = 256
    k_static = 10
    # get_KNN_batch: chunked pairwise L2 distance (torch.split over queries)
    dist_chunks = []
    for i in range(0, n1, bs_static):
        dist_chunks.append(knn_distance_batch(query_emb[i:i + bs_static], candidate_emb))
    distance_table = jnp.concatenate(dist_chunks, axis=0)   # [N1, N2]
    _, top_k_indexes = jax.lax.top_k(-distance_table, k_static)  # [N1, k]
    residual = (jnp.asarray(k) - k_static) + (jnp.asarray(batch_size) - bs_static)
    top_k_indexes = top_k_indexes + residual.astype(top_k_indexes.dtype)

    # get_neighbor_embeddings: gather top-k neighbors from both tables
    neighbor_emb = jnp.take(candidate_emb, top_k_indexes.reshape(-1), axis=0).reshape(n1, k_static, -1)
    neighbor_bert = jnp.take(candidate_bert, top_k_indexes.reshape(-1), axis=0).reshape(n1, k_static, -1)

    # compute_cosine_batch: elementwise max of original/bert cosine tables
    cos_o = cosine_sim(neighbor_emb, query_emb[:, None, :])
    cos_b = cosine_sim(neighbor_bert, query_bert[:, None, :])
    cosine_table = jnp.where(cos_o > cos_b, cos_o, cos_b)
    return top_k_indexes, cosine_table, jnp.mean(cosine_table, axis=-1)

if __name__ == "__main__":
    import jax
    _d = setup_inputs()
    print(jax.jit(kernel)(*tuple(_d.values())))

</pallas_src>

<mosaic_0001>
#map = affine_map<(d0, d1) -> (0, 0)>
#map1 = affine_map<(d0, d1) -> (0)>
module attributes {stable_mosaic.version = 14 : i64} {
  func.func @_gather(%arg0: i32, %arg1: i32, %arg2: memref<100000x128xf32, #tpu.memory_space<hbm>>, %arg3: memref<100000x128xf32, #tpu.memory_space<hbm>>, %arg4: memref<10240xi32, #tpu.memory_space<hbm>>, %arg5: memref<10240x128xf32, #tpu.memory_space<hbm>>, %arg6: memref<10240x128xf32, #tpu.memory_space<hbm>>, %arg7: memref<320xi32, #tpu.memory_space<vmem>>, %arg8: memref<320x128xf32, #tpu.memory_space<vmem>>, %arg9: memref<320x128xf32, #tpu.memory_space<vmem>>, %arg10: memref<!tpu.dma_semaphore, #tpu.memory_space<semaphore_mem>>, %arg11: memref<!tpu.dma_semaphore, #tpu.memory_space<semaphore_mem>>) attributes {dimension_semantics = [#tpu.dimension_semantics<core_parallel>, #tpu.dimension_semantics<subcore_parallel>], iteration_bounds = array<i64: 2, 16>, scalar_prefetch = 0 : i64, scratch_operands = 5 : i64, tpu.core_type = #tpu.core_type<sc_vector_subcore>, window_params = [{transform_indices = #map}, {transform_indices = #map}, {transform_indices = #map1}, {transform_indices = #map}, {transform_indices = #map}]} {
    %mul3A = arith.constant 2 : i32
    %mul3A_0 = arith.muli %arg1, %mul3A : i32
    %add3A = arith.addi %mul3A_0, %arg0 : i32
    %mul3A_1 = arith.constant 320 : i32
    %mul3A_2 = arith.muli %add3A, %mul3A_1 : i32
    "tpu.region"() ({
      %run_scoped3A = tpu.sem_alloc : memref<!tpu.dma_semaphore, #tpu.memory_space<semaphore_mem>>
      %dma_start3A_97 = tpu.memref_slice %arg4[%mul3A_2] : memref<10240xi32, #tpu.memory_space<hbm>> -> memref<320xi32, #tpu.memory_space<hbm>>
      %dma_start3A_98 = tpu.memref_slice %arg4[%mul3A_2] : memref<10240xi32, #tpu.memory_space<hbm>> -> memref<320xi32, #tpu.memory_space<hbm>>
      tpu.enqueue_dma source(%dma_start3A_98 : memref<320xi32, #tpu.memory_space<hbm>>) target(%arg7 : memref<320xi32, #tpu.memory_space<vmem>>) target_semaphore(%run_scoped3A : memref<!tpu.dma_semaphore, #tpu.memory_space<semaphore_mem>>)
      %dma_wait3A_99 = tpu.memref_slice %arg4[%mul3A_2] : memref<10240xi32, #tpu.memory_space<hbm>> -> memref<320xi32, #tpu.memory_space<hbm>>
      %dma_wait3A_100 = tpu.memref_slice %arg4[%mul3A_2] : memref<10240xi32, #tpu.memory_space<hbm>> -> memref<320xi32, #tpu.memory_space<hbm>>
      tpu.wait_dma2 semaphore(%run_scoped3A : memref<!tpu.dma_semaphore, #tpu.memory_space<semaphore_mem>>) src(%dma_wait3A_100 : memref<320xi32, #tpu.memory_space<hbm>>) dst(%arg7 : memref<320xi32, #tpu.memory_space<vmem>>)
      tpu.yield
    }) : () -> ()
    %dma_start3A = arith.constant 0 : i32
    %dma_start3A_3 = arith.constant 0 : i32
    %dma_start3A_4 = tpu.memref_slice %arg8[%dma_start3A, %dma_start3A_3] : memref<320x128xf32, #tpu.memory_space<vmem>> -> memref<128x128xf32, #tpu.memory_space<vmem>>
    %dma_start3A_5 = arith.constant 0 : i32
    %dma_start3A_6 = tpu.memref_slice %arg7[%dma_start3A_5] : memref<320xi32, #tpu.memory_space<vmem>> -> memref<128xi32, #tpu.memory_space<vmem>>
    %dma_start3A_7 = arith.constant 0 : i32
    %dma_start3A_8 = arith.constant 0 : i32
    %dma_start3A_9 = tpu.memref_slice %arg2[%dma_start3A_7, %dma_start3A_8] : memref<100000x128xf32, #tpu.memory_space<hbm>> -> memref<100000x128xf32, #tpu.memory_space<hbm>>
    tpu.enqueue_indirect_dma source(%dma_start3A_9 : memref<100000x128xf32, #tpu.memory_space<hbm>>) target(%dma_start3A_4 : memref<128x128xf32, #tpu.memory_space<vmem>>) offsets(%dma_start3A_6 : memref<128xi32, #tpu.memory_space<vmem>>) semaphore(%arg10 : memref<!tpu.dma_semaphore, #tpu.memory_space<semaphore_mem>>)
    %dma_start3A_10 = arith.constant 0 : i32
    %dma_start3A_11 = arith.constant 0 : i32
    %dma_start3A_12 = tpu.memref_slice %arg9[%dma_start3A_10, %dma_start3A_11] : memref<320x128xf32, #tpu.memory_space<vmem>> -> memref<128x128xf32, #tpu.memory_space<vmem>>
    %dma_start3A_13 = arith.constant 0 : i32
    %dma_start3A_14 = tpu.memref_slice %arg7[%dma_start3A_13] : memref<320xi32, #tpu.memory_space<vmem>> -> memref<128xi32, #tpu.memory_space<vmem>>
    %dma_start3A_15 = arith.constant 0 : i32
    %dma_start3A_16 = arith.constant 0 : i32
    %dma_start3A_17 = tpu.memref_slice %arg3[%dma_start3A_15, %dma_start3A_16] : memref<100000x128xf32, #tpu.memory_space<hbm>> -> memref<100000x128xf32, #tpu.memory_space<hbm>>
    tpu.enqueue_indirect_dma source(%dma_start3A_17 : memref<100000x128xf32, #tpu.memory_space<hbm>>) target(%dma_start3A_12 : memref<128x128xf32, #tpu.memory_space<vmem>>) offsets(%dma_start3A_14 : memref<128xi32, #tpu.memory_space<vmem>>) semaphore(%arg11 : memref<!tpu.dma_semaphore, #tpu.memory_space<semaphore_mem>>)
    %dma_wait3A = arith.constant 0 : i32
    %dma_wait3A_18 = arith.constant 0 : i32
    %dma_wait3A_19 = tpu.memref_slice %arg8[%dma_wait3A, %dma_wait3A_18] : memref<320x128xf32, #tpu.memory_space<vmem>> -> memref<128x128xf32, #tpu.memory_space<vmem>>
    %dma_wait3A_20 = arith.constant 0 : i32
    %dma_wait3A_21 = tpu.memref_slice %arg7[%dma_wait3A_20] : memref<320xi32, #tpu.memory_space<vmem>> -> memref<128xi32, #tpu.memory_space<vmem>>
    %dma_wait3A_22 = arith.constant 0 : i32
    %dma_wait3A_23 = arith.constant 0 : i32
    %dma_wait3A_24 = tpu.memref_slice %arg2[%dma_wait3A_22, %dma_wait3A_23] : memref<100000x128xf32, #tpu.memory_space<hbm>> -> memref<100000x128xf32, #tpu.memory_space<hbm>>
    tpu.wait_indirect_dma semaphore(%arg10 : memref<!tpu.dma_semaphore, #tpu.memory_space<semaphore_mem>>) src(%dma_wait3A_24 : memref<100000x128xf32, #tpu.memory_space<hbm>>) dst(%dma_wait3A_19 : memref<128x128xf32, #tpu.memory_space<vmem>>)
    %dma_wait3A_25 = arith.constant 0 : i32
    %dma_wait3A_26 = arith.constant 0 : i32
    %dma_wait3A_27 = tpu.memref_slice %arg9[%dma_wait3A_25, %dma_wait3A_26] : memref<320x128xf32, #tpu.memory_space<vmem>> -> memref<128x128xf32, #tpu.memory_space<vmem>>
    %dma_wait3A_28 = arith.constant 0 : i32
    %dma_wait3A_29 = tpu.memref_slice %arg7[%dma_wait3A_28] : memref<320xi32, #tpu.memory_space<vmem>> -> memref<128xi32, #tpu.memory_space<vmem>>
    %dma_wait3A_30 = arith.constant 0 : i32
    %dma_wait3A_31 = arith.constant 0 : i32
    %dma_wait3A_32 = tpu.memref_slice %arg3[%dma_wait3A_30, %dma_wait3A_31] : memref<100000x128xf32, #tpu.memory_space<hbm>> -> memref<100000x128xf32, #tpu.memory_space<hbm>>
    tpu.wait_indirect_dma semaphore(%arg11 : memref<!tpu.dma_semaphore, #tpu.memory_space<semaphore_mem>>) src(%dma_wait3A_32 : memref<100000x128xf32, #tpu.memory_space<hbm>>) dst(%dma_wait3A_27 : memref<128x128xf32, #tpu.memory_space<vmem>>)
    %dma_start3A_33 = arith.constant 128 : i32
    %dma_start3A_34 = arith.constant 0 : i32
    %dma_start3A_35 = tpu.memref_slice %arg8[%dma_start3A_33, %dma_start3A_34] : memref<320x128xf32, #tpu.memory_space<vmem>> -> memref<128x128xf32, #tpu.memory_space<vmem>>
    %dma_start3A_36 = arith.constant 128 : i32
    %dma_start3A_37 = tpu.memref_slice %arg7[%dma_start3A_36] : memref<320xi32, #tpu.memory_space<vmem>> -> memref<128xi32, #tpu.memory_space<vmem>>
    %dma_start3A_38 = arith.constant 0 : i32
    %dma_start3A_39 = arith.constant 0 : i32
    %dma_start3A_40 = tpu.memref_slice %arg2[%dma_start3A_38, %dma_start3A_39] : memref<100000x128xf32, #tpu.memory_space<hbm>> -> memref<100000x128xf32, #tpu.memory_space<hbm>>
    tpu.enqueue_indirect_dma source(%dma_start3A_40 : memref<100000x128xf32, #tpu.memory_space<hbm>>) target(%dma_start3A_35 : memref<128x128xf32, #tpu.memory_space<vmem>>) offsets(%dma_start3A_37 : memref<128xi32, #tpu.memory_space<vmem>>) semaphore(%arg10 : memref<!tpu.dma_semaphore, #tpu.memory_space<semaphore_mem>>)
    %dma_start3A_41 = arith.constant 128 : i32
    %dma_start3A_42 = arith.constant 0 : i32
    %dma_start3A_43 = tpu.memref_slice %arg9[%dma_start3A_41, %dma_start3A_42] : memref<320x128xf32, #tpu.memory_space<vmem>> -> memref<128x128xf32, #tpu.memory_space<vmem>>
    %dma_start3A_44 = arith.constant 128 : i32
    %dma_start3A_45 = tpu.memref_slice %arg7[%dma_start3A_44] : memref<320xi32, #tpu.memory_space<vmem>> -> memref<128xi32, #tpu.memory_space<vmem>>
    %dma_start3A_46 = arith.constant 0 : i32
    %dma_start3A_47 = arith.constant 0 : i32
    %dma_start3A_48 = tpu.memref_slice %arg3[%dma_start3A_46, %dma_start3A_47] : memref<100000x128xf32, #tpu.memory_space<hbm>> -> memref<100000x128xf32, #tpu.memory_space<hbm>>
    tpu.enqueue_indirect_dma source(%dma_start3A_48 : memref<100000x128xf32, #tpu.memory_space<hbm>>) target(%dma_start3A_43 : memref<128x128xf32, #tpu.memory_space<vmem>>) offsets(%dma_start3A_45 : memref<128xi32, #tpu.memory_space<vmem>>) semaphore(%arg11 : memref<!tpu.dma_semaphore, #tpu.memory_space<semaphore_mem>>)
    %dma_wait3A_49 = arith.constant 128 : i32
    %dma_wait3A_50 = arith.constant 0 : i32
    %dma_wait3A_51 = tpu.memref_slice %arg8[%dma_wait3A_49, %dma_wait3A_50] : memref<320x128xf32, #tpu.memory_space<vmem>> -> memref<128x128xf32, #tpu.memory_space<vmem>>
    %dma_wait3A_52 = arith.constant 128 : i32
    %dma_wait3A_53 = tpu.memref_slice %arg7[%dma_wait3A_52] : memref<320xi32, #tpu.memory_space<vmem>> -> memref<128xi32, #tpu.memory_space<vmem>>
    %dma_wait3A_54 = arith.constant 0 : i32
    %dma_wait3A_55 = arith.constant 0 : i32
    %dma_wait3A_56 = tpu.memref_slice %arg2[%dma_wait3A_54, %dma_wait3A_55] : memref<100000x128xf32, #tpu.memory_space<hbm>> -> memref<100000x128xf32, #tpu.memory_space<hbm>>
    tpu.wait_indirect_dma semaphore(%arg10 : memref<!tpu.dma_semaphore, #tpu.memory_space<semaphore_mem>>) src(%dma_wait3A_56 : memref<100000x128xf32, #tpu.memory_space<hbm>>) dst(%dma_wait3A_51 : memref<128x128xf32, #tpu.memory_space<vmem>>)
    %dma_wait3A_57 = arith.constant 128 : i32
    %dma_wait3A_58 = arith.constant 0 : i32
    %dma_wait3A_59 = tpu.memref_slice %arg9[%dma_wait3A_57, %dma_wait3A_58] : memref<320x128xf32, #tpu.memory_space<vmem>> -> memref<128x128xf32, #tpu.memory_space<vmem>>
    %dma_wait3A_60 = arith.constant 128 : i32
    %dma_wait3A_61 = tpu.memref_slice %arg7[%dma_wait3A_60] : memref<320xi32, #tpu.memory_space<vmem>> -> memref<128xi32, #tpu.memory_space<vmem>>
    %dma_wait3A_62 = arith.constant 0 : i32
    %dma_wait3A_63 = arith.constant 0 : i32
    %dma_wait3A_64 = tpu.memref_slice %arg3[%dma_wait3A_62, %dma_wait3A_63] : memref<100000x128xf32, #tpu.memory_space<hbm>> -> memref<100000x128xf32, #tpu.memory_space<hbm>>
    tpu.wait_indirect_dma semaphore(%arg11 : memref<!tpu.dma_semaphore, #tpu.memory_space<semaphore_mem>>) src(%dma_wait3A_64 : memref<100000x128xf32, #tpu.memory_space<hbm>>) dst(%dma_wait3A_59 : memref<128x128xf32, #tpu.memory_space<vmem>>)
    %dma_start3A_65 = arith.constant 256 : i32
    %dma_start3A_66 = arith.constant 0 : i32
    %dma_start3A_67 = tpu.memref_slice %arg8[%dma_start3A_65, %dma_start3A_66] : memref<320x128xf32, #tpu.memory_space<vmem>> -> memref<64x128xf32, #tpu.memory_space<vmem>>
    %dma_start3A_68 = arith.constant 256 : i32
    %dma_start3A_69 = tpu.memref_slice %arg7[%dma_start3A_68] : memref<320xi32, #tpu.memory_space<vmem>> -> memref<64xi32, #tpu.memory_space<vmem>>
    %dma_start3A_70 = arith.constant 0 : i32
    %dma_start3A_71 = arith.constant 0 : i32
    %dma_start3A_72 = tpu.memref_slice %arg2[%dma_start3A_70, %dma_start3A_71] : memref<100000x128xf32, #tpu.memory_space<hbm>> -> memref<100000x128xf32, #tpu.memory_space<hbm>>
    tpu.enqueue_indirect_dma source(%dma_start3A_72 : memref<100000x128xf32, #tpu.memory_space<hbm>>) target(%dma_start3A_67 : memref<64x128xf32, #tpu.memory_space<vmem>>) offsets(%dma_start3A_69 : memref<64xi32, #tpu.memory_space<vmem>>) semaphore(%arg10 : memref<!tpu.dma_semaphore, #tpu.memory_space<semaphore_mem>>)
    %dma_start3A_73 = arith.constant 256 : i32
    %dma_start3A_74 = arith.constant 0 : i32
    %dma_start3A_75 = tpu.memref_slice %arg9[%dma_start3A_73, %dma_start3A_74] : memref<320x128xf32, #tpu.memory_space<vmem>> -> memref<64x128xf32, #tpu.memory_space<vmem>>
    %dma_start3A_76 = arith.constant 256 : i32
    %dma_start3A_77 = tpu.memref_slice %arg7[%dma_start3A_76] : memref<320xi32, #tpu.memory_space<vmem>> -> memref<64xi32, #tpu.memory_space<vmem>>
    %dma_start3A_78 = arith.constant 0 : i32
    %dma_start3A_79 = arith.constant 0 : i32
    %dma_start3A_80 = tpu.memref_slice %arg3[%dma_start3A_78, %dma_start3A_79] : memref<100000x128xf32, #tpu.memory_space<hbm>> -> memref<100000x128xf32, #tpu.memory_space<hbm>>
    tpu.enqueue_indirect_dma source(%dma_start3A_80 : memref<100000x128xf32, #tpu.memory_space<hbm>>) target(%dma_start3A_75 : memref<64x128xf32, #tpu.memory_space<vmem>>) offsets(%dma_start3A_77 : memref<64xi32, #tpu.memory_space<vmem>>) semaphore(%arg11 : memref<!tpu.dma_semaphore, #tpu.memory_space<semaphore_mem>>)
    %dma_wait3A_81 = arith.constant 256 : i32
    %dma_wait3A_82 = arith.constant 0 : i32
    %dma_wait3A_83 = tpu.memref_slice %arg8[%dma_wait3A_81, %dma_wait3A_82] : memref<320x128xf32, #tpu.memory_space<vmem>> -> memref<64x128xf32, #tpu.memory_space<vmem>>
    %dma_wait3A_84 = arith.constant 256 : i32
    %dma_wait3A_85 = tpu.memref_slice %arg7[%dma_wait3A_84] : memref<320xi32, #tpu.memory_space<vmem>> -> memref<64xi32, #tpu.memory_space<vmem>>
    %dma_wait3A_86 = arith.constant 0 : i32
    %dma_wait3A_87 = arith.constant 0 : i32
    %dma_wait3A_88 = tpu.memref_slice %arg2[%dma_wait3A_86, %dma_wait3A_87] : memref<100000x128xf32, #tpu.memory_space<hbm>> -> memref<100000x128xf32, #tpu.memory_space<hbm>>
    tpu.wait_indirect_dma semaphore(%arg10 : memref<!tpu.dma_semaphore, #tpu.memory_space<semaphore_mem>>) src(%dma_wait3A_88 : memref<100000x128xf32, #tpu.memory_space<hbm>>) dst(%dma_wait3A_83 : memref<64x128xf32, #tpu.memory_space<vmem>>)
    %dma_wait3A_89 = arith.constant 256 : i32
    %dma_wait3A_90 = arith.constant 0 : i32
    %dma_wait3A_91 = tpu.memref_slice %arg9[%dma_wait3A_89, %dma_wait3A_90] : memref<320x128xf32, #tpu.memory_space<vmem>> -> memref<64x128xf32, #tpu.memory_space<vmem>>
    %dma_wait3A_92 = arith.constant 256 : i32
    %dma_wait3A_93 = tpu.memref_slice %arg7[%dma_wait3A_92] : memref<320xi32, #tpu.memory_space<vmem>> -> memref<64xi32, #tpu.memory_space<vmem>>
    %dma_wait3A_94 = arith.constant 0 : i32
    %dma_wait3A_95 = arith.constant 0 : i32
    %dma_wait3A_96 = tpu.memref_slice %arg3[%dma_wait3A_94, %dma_wait3A_95] : memref<100000x128xf32, #tpu.memory_space<hbm>> -> memref<100000x128xf32, #tpu.memory_space<hbm>>
    tpu.wait_indirect_dma semaphore(%arg11 : memref<!tpu.dma_semaphore, #tpu.memory_space<semaphore_mem>>) src(%dma_wait3A_96 : memref<100000x128xf32, #tpu.memory_space<hbm>>) dst(%dma_wait3A_91 : memref<64x128xf32, #tpu.memory_space<vmem>>)
    "tpu.region"() ({
      %run_scoped3A = tpu.sem_alloc : memref<!tpu.dma_semaphore, #tpu.memory_space<semaphore_mem>>
      %dma_start3A_97 = arith.constant 0 : i32
      %dma_start3A_98 = tpu.memref_slice %arg5[%mul3A_2, %dma_start3A_97] : memref<10240x128xf32, #tpu.memory_space<hbm>> -> memref<320x128xf32, #tpu.memory_space<hbm>>
      %dma_start3A_99 = arith.constant 0 : i32
      %dma_start3A_100 = tpu.memref_slice %arg5[%mul3A_2, %dma_start3A_99] : memref<10240x128xf32, #tpu.memory_space<hbm>> -> memref<320x128xf32, #tpu.memory_space<hbm>>
      tpu.enqueue_dma source(%arg8 : memref<320x128xf32, #tpu.memory_space<vmem>>) target(%dma_start3A_100 : memref<320x128xf32, #tpu.memory_space<hbm>>) target_semaphore(%run_scoped3A : memref<!tpu.dma_semaphore, #tpu.memory_space<semaphore_mem>>)
      %dma_wait3A_101 = arith.constant 0 : i32
      %dma_wait3A_102 = tpu.memref_slice %arg5[%mul3A_2, %dma_wait3A_101] : memref<10240x128xf32, #tpu.memory_space<hbm>> -> memref<320x128xf32, #tpu.memory_space<hbm>>
      %dma_wait3A_103 = arith.constant 0 : i32
      %dma_wait3A_104 = tpu.memref_slice %arg5[%mul3A_2, %dma_wait3A_103] : memref<10240x128xf32, #tpu.memory_space<hbm>> -> memref<320x128xf32, #tpu.memory_space<hbm>>
      tpu.wait_dma2 semaphore(%run_scoped3A : memref<!tpu.dma_semaphore, #tpu.memory_space<semaphore_mem>>) src(%arg8 : memref<320x128xf32, #tpu.memory_space<vmem>>) dst(%dma_wait3A_104 : memref<320x128xf32, #tpu.memory_space<hbm>>)
      tpu.yield
    }) : () -> ()
    "tpu.region"() ({
      %run_scoped3A = tpu.sem_alloc : memref<!tpu.dma_semaphore, #tpu.memory_space<semaphore_mem>>
      %dma_start3A_97 = arith.constant 0 : i32
      %dma_start3A_98 = tpu.memref_slice %arg6[%mul3A_2, %dma_start3A_97] : memref<10240x128xf32, #tpu.memory_space<hbm>> -> memref<320x128xf32, #tpu.memory_space<hbm>>
      %dma_start3A_99 = arith.constant 0 : i32
      %dma_start3A_100 = tpu.memref_slice %arg6[%mul3A_2, %dma_start3A_99] : memref<10240x128xf32, #tpu.memory_space<hbm>> -> memref<320x128xf32, #tpu.memory_space<hbm>>
      tpu.enqueue_dma source(%arg9 : memref<320x128xf32, #tpu.memory_space<vmem>>) target(%dma_start3A_100 : memref<320x128xf32, #tpu.memory_space<hbm>>) target_semaphore(%run_scoped3A : memref<!tpu.dma_semaphore, #tpu.memory_space<semaphore_mem>>)
      %dma_wait3A_101 = arith.constant 0 : i32
      %dma_wait3A_102 = tpu.memref_slice %arg6[%mul3A_2, %dma_wait3A_101] : memref<10240x128xf32, #tpu.memory_space<hbm>> -> memref<320x128xf32, #tpu.memory_space<hbm>>
      %dma_wait3A_103 = arith.constant 0 : i32
      %dma_wait3A_104 = tpu.memref_slice %arg6[%mul3A_2, %dma_wait3A_103] : memref<10240x128xf32, #tpu.memory_space<hbm>> -> memref<320x128xf32, #tpu.memory_space<hbm>>
      tpu.wait_dma2 semaphore(%run_scoped3A : memref<!tpu.dma_semaphore, #tpu.memory_space<semaphore_mem>>) src(%arg9 : memref<320x128xf32, #tpu.memory_space<vmem>>) dst(%dma_wait3A_104 : memref<320x128xf32, #tpu.memory_space<hbm>>)
      tpu.yield
    }) : () -> ()
    return
  }
}

module attributes {stable_mosaic.version = 14 : i64} {
  func.func @_topk_body(%arg0: i32, %arg1: i32, %arg2: memref<256x128xf32, #tpu.memory_space<vmem>>, %arg3: memref<1024x128xf32, #tpu.memory_space<vmem>>, %arg4: memref<1x1x1024xf32, #tpu.memory_space<vmem>>, %arg5: memref<256x16xf32, #tpu.memory_space<vmem>>, %arg6: memref<256x16xf32, #tpu.memory_space<vmem>>) attributes {dimension_semantics = [#tpu.dimension_semantics<parallel>, #tpu.dimension_semantics<arbitrary>], iteration_bounds = array<i64: 4, 98>, scalar_prefetch = 0 : i64, scratch_operands = 0 : i64, tpu.core_type = #tpu.core_type<tc>, window_params = [{transform_indices = @transform_0, window_bounds = array<i64: 256, 128>}, {transform_indices = @transform_1, window_bounds = array<i64: 1024, 128>}, {transform_indices = @transform_2, window_bounds = array<i64: 1, 1, 1024>}, {transform_indices = @transform_3, window_bounds = array<i64: 256, 16>}, {transform_indices = @transform_4, window_bounds = array<i64: 256, 16>}]} {
    %eq3A = arith.constant 0 : i32
    %eq3A_0 = arith.cmpi eq, %arg1, %eq3A : i32
    %convert_element_type3A = arith.extui %eq3A_0 : i1 to i32
    %cond3A = arith.constant 0 : i32
    %cond3A_1 = arith.cmpi ne, %convert_element_type3A, %cond3A : i32
    scf.if %cond3A_1 {
      %broadcast_in_dim3A_61 = arith.constant 1.000000e+30 : f32
      %broadcast_in_dim3A_62 = vector.broadcast %broadcast_in_dim3A_61 : f32 to vector<256x16xf32>
      %swap3A_63 = arith.constant 0 : index
      %swap3A_64 = arith.constant 0 : index
      %swap3A_65 = vector.load %arg5[%swap3A_63, %swap3A_64] : memref<256x16xf32, #tpu.memory_space<vmem>>, vector<256x16xf32>
      tpu.vector_store %arg5[%swap3A_63, %swap3A_64], %broadcast_in_dim3A_62 {strides = array<i32>} : memref<256x16xf32, #tpu.memory_space<vmem>>, vector<256x16xf32>,
      %broadcast_in_dim3A_66 = arith.constant 0x7F800000 : f32
      %broadcast_in_dim3A_67 = vector.broadcast %broadcast_in_dim3A_66 : f32 to vector<256x16xf32>
      %swap3A_68 = arith.constant 0 : index
      %swap3A_69 = arith.constant 0 : index
      %swap3A_70 = vector.load %arg6[%swap3A_68, %swap3A_69] : memref<256x16xf32, #tpu.memory_space<vmem>>, vector<256x16xf32>
      tpu.vector_store %arg6[%swap3A_68, %swap3A_69], %broadcast_in_dim3A_67 {strides = array<i32>} : memref<256x16xf32, #tpu.memory_space<vmem>>, vector<256x16xf32>,
    } else {
    }
    %get3A = arith.constant 0 : index
    %get3A_2 = arith.constant 0 : index
    %get3A_3 = vector.load %arg2[%get3A, %get3A_2] : memref<256x128xf32, #tpu.memory_space<vmem>>, vector<256x128xf32>
    %get3A_4 = arith.constant 0 : index
    %get3A_5 = arith.constant 0 : index
    %get3A_6 = vector.load %arg3[%get3A_4, %get3A_5] : memref<1024x128xf32, #tpu.memory_space<vmem>>, vector<1024x128xf32>
    %get3A_7 = arith.constant 0 : index
    %get3A_8 = arith.constant 0 : index
    %get3A_9 = arith.constant 0 : index
    %get3A_10 = vector.load %arg4[%get3A_7, %get3A_8, %get3A_9] : memref<1x1x1024xf32, #tpu.memory_space<vmem>>, vector<1x1x1024xf32>
    %get3A_11 = vector.shape_cast %get3A_10 : vector<1x1x1024xf32> to vector<1x1024xf32>
    %iota3A = tpu.iota {dimensions = array<i32: 1>} : vector<1x1024xi32>
    %convert_element_type3A_12 = arith.sitofp %iota3A : vector<1x1024xi32> to vector<1x1024xf32>
    %dot_general3A = arith.constant dense<0.000000e+00> : vector<256x1024xf32>
    %dot_general3A_13 = tpu.matmul %get3A_3, %get3A_6, %dot_general3A {dimension_numbers = #tpu.dot_dimension_numbers<[1], [1], [0], [0], [0, 0, 1, 0], [], []>, transpose_lhs_hint = false} : vector<256x128xf32>, vector<1024x128xf32>, vector<256x1024xf32> -> vector<256x1024xf32>
    %ne3A = arith.constant 0x7F800000 : f32
    %ne3A_14 = vector.broadcast %ne3A : f32 to vector<1x1024xf32>
    %ne3A_15 = arith.cmpf one, %get3A_11, %ne3A_14 : vector<1x1024xf32>
    %mul3A = arith.constant 2.000000e+00 : f32
    %mul3A_16 = vector.broadcast %mul3A : f32 to vector<256x1024xf32>
    %mul3A_17 = arith.mulf %mul3A_16, %dot_general3A_13 : vector<256x1024xf32>
    %sub3A = vector.broadcast %get3A_11 : vector<1x1024xf32> to vector<256x1024xf32>
    %sub3A_18 = arith.subf %sub3A, %mul3A_17 : vector<256x1024xf32>
    %jit3A = arith.constant 0x7F800000 : f32
    %broadcast_in_dim3A = vector.shape_cast %ne3A_15 : vector<1x1024xi1> to vector<1x1024xi1>
    %broadcast_in_dim3A_19 = vector.broadcast %broadcast_in_dim3A : vector<1x1024xi1> to vector<256x1024xi1>
    %broadcast_in_dim3A_20 = vector.broadcast %jit3A : f32 to vector<256x1024xf32>
    %select_n3A = arith.select %broadcast_in_dim3A_19, %sub3A_18, %broadcast_in_dim3A_20 : vector<256x1024xi1>, vector<256x1024xf32>
    %get3A_21 = arith.constant 0 : index
    %get3A_22 = arith.constant 0 : index
    %get3A_23 = vector.load %arg6[%get3A_21, %get3A_22] : memref<256x16xf32, #tpu.memory_space<vmem>>, vector<256x16xf32>
    %get3A_24 = arith.constant 0 : index
    %get3A_25 = arith.constant 0 : index
    %get3A_26 = vector.load %arg5[%get3A_24, %get3A_25] : memref<256x16xf32, #tpu.memory_space<vmem>>, vector<256x16xf32>
    %slice3A = vector.extract_strided_slice %get3A_23 {offsets = [0, 9], sizes = [256, 1], strides = [1, 1]} : vector<256x16xf32> to vector<256x1xf32>
    %lt3A = vector.broadcast %slice3A : vector<256x1xf32> to vector<256x1024xf32>
    %lt3A_27 = arith.cmpf olt, %select_n3A, %lt3A : vector<256x1024xf32>
    %convert_element_type3A_28 = arith.extui %lt3A_27 : vector<256x1024xi1> to vector<256x1024xi32>
    %convert_element_type3A_29 = arith.sitofp %convert_element_type3A_28 : vector<256x1024xi32> to vector<256x1024xf32>
    %reduce_sum3A = arith.constant dense<0.000000e+00> : vector<256xf32>
    %reduce_sum3A_30 = vector.multi_reduction <add>, %convert_element_type3A_29, %reduce_sum3A [1] : vector<256x1024xf32> to vector<256xf32>
    %reduce_max3A = vector.shape_cast %reduce_sum3A_30 : vector<256xf32> to vector<1x256xf32>
    %reduce_max3A_31 = arith.constant dense<0xFF800000> : vector<1xf32>
    %reduce_max3A_32 = vector.multi_reduction <maximumf>, %reduce_max3A, %reduce_max3A_31 [1] : vector<1x256xf32> to vector<1xf32>
    %reduce_max3A_33 = vector.shape_cast %reduce_max3A_32 : vector<1xf32> to vector<1x1xf32>
    %reduce_max3A_34 = vector.extract %reduce_max3A_33[0, 0] : f32 from vector<1x1xf32>
    %min3A = arith.constant 1.000000e+01 : f32
    %min3A_35 = arith.minimumf %reduce_max3A_34, %min3A : f32
    %convert_element_type3A_36 = arith.fptosi %min3A_35 : f32 to i32
    %jit3A_37 = arith.constant 0x7F800000 : f32
    %broadcast_in_dim3A_38 = vector.broadcast %jit3A_37 : f32 to vector<256x1024xf32>
    %select_n3A_39 = arith.select %lt3A_27, %select_n3A, %broadcast_in_dim3A_38 : vector<256x1024xi1>, vector<256x1024xf32>
    %broadcast_in_dim3A_40 = vector.shape_cast %convert_element_type3A_12 : vector<1x1024xf32> to vector<1x1024xf32>
    %broadcast_in_dim3A_41 = vector.broadcast %broadcast_in_dim3A_40 : vector<1x1024xf32> to vector<256x1024xf32>
    %iota3A_42 = tpu.iota {dimensions = array<i32: 1>} : vector<256x16xi32>
    %mul3A_43 = arith.constant 1024 : i32
    %mul3A_44 = arith.muli %arg1, %mul3A_43 : i32
    %convert_element_type3A_45 = arith.sitofp %mul3A_44 : i32 to f32
    %while3A = arith.constant 0 : i32
    %while3A_46 = arith.subi %convert_element_type3A_36, %while3A : i32
    %while3A_47 = arith.addi %while3A, %while3A_46 : i32
    %while3A_48 = arith.constant 1 : i32
    %while3A_49 = arith.divsi %while3A_46, %while3A_48 : i32
    %while3A_50 = arith.muli %while3A_49, %while3A_48 : i32
    %while3A_51 = arith.addi %while3A, %while3A_50 : i32
    %while3A_52 = arith.constant 1 : i32
    %while3A_53:3 = scf.for %while3A_61 = %while3A to %while3A_51 step %while3A_52 iter_args(%while3A_62 = %select_n3A_39, %while3A_63 = %get3A_23, %while3A_64 = %get3A_26) -> (vector<256x1024xf32>, vector<256x16xf32>, vector<256x16xf32>)  : i32 {
      %reduce_min3A = arith.constant dense<0x7F800000> : vector<256xf32>
      %reduce_min3A_65 = vector.multi_reduction <minimumf>, %while3A_62, %reduce_min3A [1] : vector<256x1024xf32> to vector<256xf32>
      %broadcast_in_dim3A_66 = vector.shape_cast %reduce_min3A_65 : vector<256xf32> to vector<256x1xf32>
      %eq3A_67 = vector.broadcast %broadcast_in_dim3A_66 : vector<256x1xf32> to vector<256x1024xf32>
      %eq3A_68 = arith.cmpf oeq, %while3A_62, %eq3A_67 : vector<256x1024xf32>
      %jit3A_69 = arith.constant 1.000000e+30 : f32
      %broadcast_in_dim3A_70 = vector.broadcast %jit3A_69 : f32 to vector<256x1024xf32>
      %select_n3A_71 = arith.select %eq3A_68, %broadcast_in_dim3A_41, %broadcast_in_dim3A_70 : vector<256x1024xi1>, vector<256x1024xf32>
      %reduce_min3A_72 = arith.constant dense<0x7F800000> : vector<256xf32>
      %reduce_min3A_73 = vector.multi_reduction <minimumf>, %select_n3A_71, %reduce_min3A_72 [1] : vector<256x1024xf32> to vector<256xf32>
      %broadcast_in_dim3A_74 = vector.shape_cast %reduce_min3A_73 : vector<256xf32> to vector<256x1xf32>
      %eq3A_75 = vector.broadcast %broadcast_in_dim3A_74 : vector<256x1xf32> to vector<256x1024xf32>
      %eq3A_76 = arith.cmpf oeq, %broadcast_in_dim3A_41, %eq3A_75 : vector<256x1024xf32>
      %jit3A_77 = arith.constant 0x7F800000 : f32
      %broadcast_in_dim3A_78 = vector.broadcast %jit3A_77 : f32 to vector<256x1024xf32>
      %select_n3A_79 = arith.select %eq3A_76, %broadcast_in_dim3A_78, %while3A_62 : vector<256x1024xi1>, vector<256x1024xf32>
      %le3A = vector.broadcast %broadcast_in_dim3A_66 : vector<256x1xf32> to vector<256x16xf32>
      %le3A_80 = arith.cmpf ole, %while3A_63, %le3A : vector<256x16xf32>
      %convert_element_type3A_81 = arith.extui %le3A_80 : vector<256x16xi1> to vector<256x16xi32>
      %reduce_sum3A_82 = arith.constant dense<0> : vector<256xi32>
      %reduce_sum3A_83 = vector.multi_reduction <add>, %convert_element_type3A_81, %reduce_sum3A_82 [1] : vector<256x16xi32> to vector<256xi32>
      %broadcast_in_dim3A_84 = vector.shape_cast %reduce_sum3A_83 : vector<256xi32> to vector<256x1xi32>
      %slice3A_85 = vector.extract_strided_slice %while3A_63 {offsets = [0, 0], sizes = [256, 1], strides = [1, 1]} : vector<256x16xf32> to vector<256x1xf32>
      %slice3A_86 = vector.extract_strided_slice %while3A_63 {offsets = [0, 0], sizes = [256, 15], strides = [1, 1]} : vector<256x16xf32> to vector<256x15xf32>
      %concatenate3A = tpu.concatenate %slice3A_85, %slice3A_86 in 1 : vector<256x1xf32>, vector<256x15xf32> -> vector<256x16xf32>
      %slice3A_87 = vector.extract_strided_slice %while3A_64 {offsets = [0, 0], sizes = [256, 1], strides = [1, 1]} : vector<256x16xf32> to vector<256x1xf32>
      %slice3A_88 = vector.extract_strided_slice %while3A_64 {offsets = [0, 0], sizes = [256, 15], strides = [1, 1]} : vector<256x16xf32> to vector<256x15xf32>
      %concatenate3A_89 = tpu.concatenate %slice3A_87, %slice3A_88 in 1 : vector<256x1xf32>, vector<256x15xf32> -> vector<256x16xf32>
      %lt3A_90 = vector.broadcast %broadcast_in_dim3A_84 : vector<256x1xi32> to vector<256x16xi32>
      %lt3A_91 = arith.cmpi slt, %iota3A_42, %lt3A_90 : vector<256x16xi32>
      %eq3A_92 = vector.broadcast %broadcast_in_dim3A_84 : vector<256x1xi32> to vector<256x16xi32>
      %eq3A_93 = arith.cmpi eq, %iota3A_42, %eq3A_92 : vector<256x16xi32>
      %broadcast_in_dim3A_94 = vector.shape_cast %broadcast_in_dim3A_66 : vector<256x1xf32> to vector<256x1xf32>
      %broadcast_in_dim3A_95 = vector.broadcast %broadcast_in_dim3A_94 : vector<256x1xf32> to vector<256x16xf32>
      %select_n3A_96 = arith.select %eq3A_93, %broadcast_in_dim3A_95, %concatenate3A : vector<256x16xi1>, vector<256x16xf32>
      %select_n3A_97 = arith.select %lt3A_91, %while3A_63, %select_n3A_96 : vector<256x16xi1>, vector<256x16xf32>
      %lt3A_98 = vector.broadcast %broadcast_in_dim3A_84 : vector<256x1xi32> to vector<256x16xi32>
      %lt3A_99 = arith.cmpi slt, %iota3A_42, %lt3A_98 : vector<256x16xi32>
      %eq3A_100 = vector.broadcast %broadcast_in_dim3A_84 : vector<256x1xi32> to vector<256x16xi32>
      %eq3A_101 = arith.cmpi eq, %iota3A_42, %eq3A_100 : vector<256x16xi32>
      %add3A = vector.broadcast %convert_element_type3A_45 : f32 to vector<256x1xf32>
      %add3A_102 = arith.addf %add3A, %broadcast_in_dim3A_74 : vector<256x1xf32>
      %broadcast_in_dim3A_103 = vector.shape_cast %add3A_102 : vector<256x1xf32> to vector<256x1xf32>
      %broadcast_in_dim3A_104 = vector.broadcast %broadcast_in_dim3A_103 : vector<256x1xf32> to vector<256x16xf32>
      %select_n3A_105 = arith.select %eq3A_101, %broadcast_in_dim3A_104, %concatenate3A_89 : vector<256x16xi1>, vector<256x16xf32>
      %select_n3A_106 = arith.select %lt3A_99, %while3A_64, %select_n3A_105 : vector<256x16xi1>, vector<256x16xf32>
      scf.yield %select_n3A_79, %select_n3A_97, %select_n3A_106 : vector<256x1024xf32>, vector<256x16xf32>, vector<256x16xf32>
    }
    %while3A_54 = arith.constant 1 : i32
    %while3A_55:3 = scf.for %while3A_61 = %while3A_51 to %while3A_47 step %while3A_54 iter_args(%while3A_62 = %while3A_53#0, %while3A_63 = %while3A_53#1, %while3A_64 = %while3A_53#2) -> (vector<256x1024xf32>, vector<256x16xf32>, vector<256x16xf32>)  : i32 {
      %reduce_min3A = arith.constant dense<0x7F800000> : vector<256xf32>
      %reduce_min3A_65 = vector.multi_reduction <minimumf>, %while3A_62, %reduce_min3A [1] : vector<256x1024xf32> to vector<256xf32>
      %broadcast_in_dim3A_66 = vector.shape_cast %reduce_min3A_65 : vector<256xf32> to vector<256x1xf32>
      %eq3A_67 = vector.broadcast %broadcast_in_dim3A_66 : vector<256x1xf32> to vector<256x1024xf32>
      %eq3A_68 = arith.cmpf oeq, %while3A_62, %eq3A_67 : vector<256x1024xf32>
      %jit3A_69 = arith.constant 1.000000e+30 : f32
      %broadcast_in_dim3A_70 = vector.broadcast %jit3A_69 : f32 to vector<256x1024xf32>
      %select_n3A_71 = arith.select %eq3A_68, %broadcast_in_dim3A_41, %broadcast_in_dim3A_70 : vector<256x1024xi1>, vector<256x1024xf32>
      %reduce_min3A_72 = arith.constant dense<0x7F800000> : vector<256xf32>
      %reduce_min3A_73 = vector.multi_reduction <minimumf>, %select_n3A_71, %reduce_min3A_72 [1] : vector<256x1024xf32> to vector<256xf32>
      %broadcast_in_dim3A_74 = vector.shape_cast %reduce_min3A_73 : vector<256xf32> to vector<256x1xf32>
      %eq3A_75 = vector.broadcast %broadcast_in_dim3A_74 : vector<256x1xf32> to vector<256x1024xf32>
      %eq3A_76 = arith.cmpf oeq, %broadcast_in_dim3A_41, %eq3A_75 : vector<256x1024xf32>
      %jit3A_77 = arith.constant 0x7F800000 : f32
      %broadcast_in_dim3A_78 = vector.broadcast %jit3A_77 : f32 to vector<256x1024xf32>
      %select_n3A_79 = arith.select %eq3A_76, %broadcast_in_dim3A_78, %while3A_62 : vector<256x1024xi1>, vector<256x1024xf32>
      %le3A = vector.broadcast %broadcast_in_dim3A_66 : vector<256x1xf32> to vector<256x16xf32>
      %le3A_80 = arith.cmpf ole, %while3A_63, %le3A : vector<256x16xf32>
      %convert_element_type3A_81 = arith.extui %le3A_80 : vector<256x16xi1> to vector<256x16xi32>
      %reduce_sum3A_82 = arith.constant dense<0> : vector<256xi32>
      %reduce_sum3A_83 = vector.multi_reduction <add>, %convert_element_type3A_81, %reduce_sum3A_82 [1] : vector<256x16xi32> to vector<256xi32>
      %broadcast_in_dim3A_84 = vector.shape_cast %reduce_sum3A_83 : vector<256xi32> to vector<256x1xi32>
      %slice3A_85 = vector.extract_strided_slice %while3A_63 {offsets = [0, 0], sizes = [256, 1], strides = [1, 1]} : vector<256x16xf32> to vector<256x1xf32>
      %slice3A_86 = vector.extract_strided_slice %while3A_63 {offsets = [0, 0], sizes = [256, 15], strides = [1, 1]} : vector<256x16xf32> to vector<256x15xf32>
      %concatenate3A = tpu.concatenate %slice3A_85, %slice3A_86 in 1 : vector<256x1xf32>, vector<256x15xf32> -> vector<256x16xf32>
      %slice3A_87 = vector.extract_strided_slice %while3A_64 {offsets = [0, 0], sizes = [256, 1], strides = [1, 1]} : vector<256x16xf32> to vector<256x1xf32>
      %slice3A_88 = vector.extract_strided_slice %while3A_64 {offsets = [0, 0], sizes = [256, 15], strides = [1, 1]} : vector<256x16xf32> to vector<256x15xf32>
      %concatenate3A_89 = tpu.concatenate %slice3A_87, %slice3A_88 in 1 : vector<256x1xf32>, vector<256x15xf32> -> vector<256x16xf32>
      %lt3A_90 = vector.broadcast %broadcast_in_dim3A_84 : vector<256x1xi32> to vector<256x16xi32>
      %lt3A_91 = arith.cmpi slt, %iota3A_42, %lt3A_90 : vector<256x16xi32>
      %eq3A_92 = vector.broadcast %broadcast_in_dim3A_84 : vector<256x1xi32> to vector<256x16xi32>
      %eq3A_93 = arith.cmpi eq, %iota3A_42, %eq3A_92 : vector<256x16xi32>
      %broadcast_in_dim3A_94 = vector.shape_cast %broadcast_in_dim3A_66 : vector<256x1xf32> to vector<256x1xf32>
      %broadcast_in_dim3A_95 = vector.broadcast %broadcast_in_dim3A_94 : vector<256x1xf32> to vector<256x16xf32>
      %select_n3A_96 = arith.select %eq3A_93, %broadcast_in_dim3A_95, %concatenate3A : vector<256x16xi1>, vector<256x16xf32>
      %select_n3A_97 = arith.select %lt3A_91, %while3A_63, %select_n3A_96 : vector<256x16xi1>, vector<256x16xf32>
      %lt3A_98 = vector.broadcast %broadcast_in_dim3A_84 : vector<256x1xi32> to vector<256x16xi32>
      %lt3A_99 = arith.cmpi slt, %iota3A_42, %lt3A_98 : vector<256x16xi32>
      %eq3A_100 = vector.broadcast %broadcast_in_dim3A_84 : vector<256x1xi32> to vector<256x16xi32>
      %eq3A_101 = arith.cmpi eq, %iota3A_42, %eq3A_100 : vector<256x16xi32>
      %add3A = vector.broadcast %convert_element_type3A_45 : f32 to vector<256x1xf32>
      %add3A_102 = arith.addf %add3A, %broadcast_in_dim3A_74 : vector<256x1xf32>
      %broadcast_in_dim3A_103 = vector.shape_cast %add3A_102 : vector<256x1xf32> to vector<256x1xf32>
      %broadcast_in_dim3A_104 = vector.broadcast %broadcast_in_dim3A_103 : vector<256x1xf32> to vector<256x16xf32>
      %select_n3A_105 = arith.select %eq3A_101, %broadcast_in_dim3A_104, %concatenate3A_89 : vector<256x16xi1>, vector<256x16xf32>
      %select_n3A_106 = arith.select %lt3A_99, %while3A_64, %select_n3A_105 : vector<256x16xi1>, vector<256x16xf32>
      scf.yield %select_n3A_79, %select_n3A_97, %select_n3A_106 : vector<256x1024xf32>, vector<256x16xf32>, vector<256x16xf32>
    }
    %swap3A = arith.constant 0 : index
    %swap3A_56 = arith.constant 0 : index
    %swap3A_57 = vector.load %arg6[%swap3A, %swap3A_56] : memref<256x16xf32, #tpu.memory_space<vmem>>, vector<256x16xf32>
    tpu.vector_store %arg6[%swap3A, %swap3A_56], %while3A_55#1 {strides = array<i32>} : memref<256x16xf32, #tpu.memory_space<vmem>>, vector<256x16xf32>,
    %swap3A_58 = arith.constant 0 : index
    %swap3A_59 = arith.constant 0 : index
    %swap3A_60 = vector.load %arg5[%swap3A_58, %swap3A_59] : memref<256x16xf32, #tpu.memory_space<vmem>>, vector<256x16xf32>
    tpu.vector_store %arg5[%swap3A_58, %swap3A_59], %while3A_55#2 {strides = array<i32>} : memref<256x16xf32, #tpu.memory_space<vmem>>, vector<256x16xf32>,
    return
  }
  func.func @transform_0(%arg0: i32, %arg1: i32) -> (i32, i32) {
    %c0_i32 = arith.constant 0 : i32
    %c0_i32_0 = arith.constant 0 : i32
    return %arg0, %c0_i32 : i32, i32
  }
  func.func @transform_1(%arg0: i32, %arg1: i32) -> (i32, i32) {
    %c0_i32 = arith.constant 0 : i32
    %c0_i32_0 = arith.constant 0 : i32
    return %arg1, %c0_i32 : i32, i32
  }
  func.func @transform_2(%arg0: i32, %arg1: i32) -> (i32, i32, i32) {
    %c0_i32 = arith.constant 0 : i32
    %c0_i32_0 = arith.constant 0 : i32
    %c0_i32_1 = arith.constant 0 : i32
    return %arg1, %c0_i32, %c0_i32_0 : i32, i32, i32
  }
  func.func @transform_3(%arg0: i32, %arg1: i32) -> (i32, i32) {
    %c0_i32 = arith.constant 0 : i32
    %c0_i32_0 = arith.constant 0 : i32
    return %arg0, %c0_i32 : i32, i32
  }
  func.func @transform_4(%arg0: i32, %arg1: i32) -> (i32, i32) {
    %c0_i32 = arith.constant 0 : i32
    %c0_i32_0 = arith.constant 0 : i32
    return %arg0, %c0_i32 : i32, i32
  }
}

module attributes {stable_mosaic.version = 14 : i64} {
  func.func @_cosine_body(%arg0: i32, %arg1: memref<256x10x128xf32, #tpu.memory_space<vmem>>, %arg2: memref<256x10x128xf32, #tpu.memory_space<vmem>>, %arg3: memref<256x128xf32, #tpu.memory_space<vmem>>, %arg4: memref<256x128xf32, #tpu.memory_space<vmem>>, %arg5: memref<256x10xf32, #tpu.memory_space<vmem>>, %arg6: memref<256x1xf32, #tpu.memory_space<vmem>>) attributes {dimension_semantics = [#tpu.dimension_semantics<arbitrary>], iteration_bounds = array<i64: 4>, scalar_prefetch = 0 : i64, scratch_operands = 0 : i64, tpu.core_type = #tpu.core_type<tc>, window_params = [{transform_indices = @transform_0, window_bounds = array<i64: 256, 10, 128>}, {transform_indices = @transform_1, window_bounds = array<i64: 256, 10, 128>}, {transform_indices = @transform_2, window_bounds = array<i64: 256, 128>}, {transform_indices = @transform_3, window_bounds = array<i64: 256, 128>}, {transform_indices = @transform_4, window_bounds = array<i64: 256, 10>}, {transform_indices = @transform_5, window_bounds = array<i64: 256, 1>}]} {
    %get3A = arith.constant 0 : index
    %get3A_0 = arith.constant 0 : index
    %get3A_1 = arith.constant 0 : index
    %get3A_2 = vector.load %arg1[%get3A, %get3A_0, %get3A_1] : memref<256x10x128xf32, #tpu.memory_space<vmem>>, vector<256x10x128xf32>
    %get3A_3 = arith.constant 0 : index
    %get3A_4 = arith.constant 0 : index
    %get3A_5 = arith.constant 0 : index
    %get3A_6 = vector.load %arg2[%get3A_3, %get3A_4, %get3A_5] : memref<256x10x128xf32, #tpu.memory_space<vmem>>, vector<256x10x128xf32>
    %get3A_7 = arith.constant 0 : index
    %get3A_8 = arith.constant 0 : index
    %get3A_9 = vector.load %arg3[%get3A_7, %get3A_8] : memref<256x128xf32, #tpu.memory_space<vmem>>, vector<256x128xf32>
    %get3A_10 = arith.constant 0 : index
    %get3A_11 = arith.constant 0 : index
    %get3A_12 = vector.load %arg4[%get3A_10, %get3A_11] : memref<256x128xf32, #tpu.memory_space<vmem>>, vector<256x128xf32>
    %broadcast_in_dim3A = vector.shape_cast %get3A_9 : vector<256x128xf32> to vector<256x1x128xf32>
    %mul3A = vector.broadcast %broadcast_in_dim3A : vector<256x1x128xf32> to vector<256x10x128xf32>
    %mul3A_13 = arith.mulf %get3A_2, %mul3A : vector<256x10x128xf32>
    %reduce_sum3A = arith.constant dense<0.000000e+00> : vector<256x10xf32>
    %reduce_sum3A_14 = vector.multi_reduction <add>, %mul3A_13, %reduce_sum3A [2] : vector<256x10x128xf32> to vector<256x10xf32>
    %mul3A_15 = arith.mulf %get3A_2, %get3A_2 : vector<256x10x128xf32>
    %reduce_sum3A_16 = arith.constant dense<0.000000e+00> : vector<256x10xf32>
    %reduce_sum3A_17 = vector.multi_reduction <add>, %mul3A_15, %reduce_sum3A_16 [2] : vector<256x10x128xf32> to vector<256x10xf32>
    %sqrt3A = math.sqrt %reduce_sum3A_17 : vector<256x10xf32>
    %mul3A_18 = arith.mulf %get3A_9, %get3A_9 : vector<256x128xf32>
    %reduce_sum3A_19 = arith.constant dense<0.000000e+00> : vector<256xf32>
    %reduce_sum3A_20 = vector.multi_reduction <add>, %mul3A_18, %reduce_sum3A_19 [1] : vector<256x128xf32> to vector<256xf32>
    %sqrt3A_21 = math.sqrt %reduce_sum3A_20 : vector<256xf32>
    %broadcast_in_dim3A_22 = vector.shape_cast %sqrt3A_21 : vector<256xf32> to vector<256x1xf32>
    %mul3A_23 = vector.broadcast %broadcast_in_dim3A_22 : vector<256x1xf32> to vector<256x10xf32>
    %mul3A_24 = arith.mulf %sqrt3A, %mul3A_23 : vector<256x10xf32>
    %max3A = arith.constant 9.99999993E-9 : f32
    %max3A_25 = vector.broadcast %max3A : f32 to vector<256x10xf32>
    %max3A_26 = arith.maximumf %mul3A_24, %max3A_25 : vector<256x10xf32>
    %div3A = arith.divf %reduce_sum3A_14, %max3A_26 : vector<256x10xf32>
    %broadcast_in_dim3A_27 = vector.shape_cast %get3A_12 : vector<256x128xf32> to vector<256x1x128xf32>
    %mul3A_28 = vector.broadcast %broadcast_in_dim3A_27 : vector<256x1x128xf32> to vector<256x10x128xf32>
    %mul3A_29 = arith.mulf %get3A_6, %mul3A_28 : vector<256x10x128xf32>
    %reduce_sum3A_30 = arith.constant dense<0.000000e+00> : vector<256x10xf32>
    %reduce_sum3A_31 = vector.multi_reduction <add>, %mul3A_29, %reduce_sum3A_30 [2] : vector<256x10x128xf32> to vector<256x10xf32>
    %mul3A_32 = arith.mulf %get3A_6, %get3A_6 : vector<256x10x128xf32>
    %reduce_sum3A_33 = arith.constant dense<0.000000e+00> : vector<256x10xf32>
    %reduce_sum3A_34 = vector.multi_reduction <add>, %mul3A_32, %reduce_sum3A_33 [2] : vector<256x10x128xf32> to vector<256x10xf32>
    %sqrt3A_35 = math.sqrt %reduce_sum3A_34 : vector<256x10xf32>
    %mul3A_36 = arith.mulf %get3A_12, %get3A_12 : vector<256x128xf32>
    %reduce_sum3A_37 = arith.constant dense<0.000000e+00> : vector<256xf32>
    %reduce_sum3A_38 = vector.multi_reduction <add>, %mul3A_36, %reduce_sum3A_37 [1] : vector<256x128xf32> to vector<256xf32>
    %sqrt3A_39 = math.sqrt %reduce_sum3A_38 : vector<256xf32>
    %broadcast_in_dim3A_40 = vector.shape_cast %sqrt3A_39 : vector<256xf32> to vector<256x1xf32>
    %mul3A_41 = vector.broadcast %broadcast_in_dim3A_40 : vector<256x1xf32> to vector<256x10xf32>
    %mul3A_42 = arith.mulf %sqrt3A_35, %mul3A_41 : vector<256x10xf32>
    %max3A_43 = arith.constant 9.99999993E-9 : f32
    %max3A_44 = vector.broadcast %max3A_43 : f32 to vector<256x10xf32>
    %max3A_45 = arith.maximumf %mul3A_42, %max3A_44 : vector<256x10xf32>
    %div3A_46 = arith.divf %reduce_sum3A_31, %max3A_45 : vector<256x10xf32>
    %gt3A = arith.cmpf ogt, %div3A, %div3A_46 : vector<256x10xf32>
    %select_n3A = arith.select %gt3A, %div3A, %div3A_46 : vector<256x10xi1>, vector<256x10xf32>
    %swap3A = arith.constant 0 : index
    %swap3A_47 = arith.constant 0 : index
    %swap3A_48 = vector.load %arg5[%swap3A, %swap3A_47] : memref<256x10xf32, #tpu.memory_space<vmem>>, vector<256x10xf32>
    tpu.vector_store %arg5[%swap3A, %swap3A_47], %select_n3A {strides = array<i32>} : memref<256x10xf32, #tpu.memory_space<vmem>>, vector<256x10xf32>,
    %reduce_sum3A_49 = arith.constant dense<0.000000e+00> : vector<256xf32>
    %reduce_sum3A_50 = vector.multi_reduction <add>, %select_n3A, %reduce_sum3A_49 [1] : vector<256x10xf32> to vector<256xf32>
    %broadcast_in_dim3A_51 = vector.shape_cast %reduce_sum3A_50 : vector<256xf32> to vector<256x1xf32>
    %div3A_52 = arith.constant 1.000000e+01 : f32
    %div3A_53 = vector.broadcast %div3A_52 : f32 to vector<256x1xf32>
    %div3A_54 = arith.divf %broadcast_in_dim3A_51, %div3A_53 : vector<256x1xf32>
    %swap3A_55 = arith.constant 0 : index
    %swap3A_56 = arith.constant 0 : index
    %swap3A_57 = vector.load %arg6[%swap3A_55, %swap3A_56] : memref<256x1xf32, #tpu.memory_space<vmem>>, vector<256x1xf32>
    tpu.vector_store %arg6[%swap3A_55, %swap3A_56], %div3A_54 {strides = array<i32>} : memref<256x1xf32, #tpu.memory_space<vmem>>, vector<256x1xf32>,
    return
  }
  func.func @transform_0(%arg0: i32) -> (i32, i32, i32) {
    %c0_i32 = arith.constant 0 : i32
    %c0_i32_0 = arith.constant 0 : i32
    %c0_i32_1 = arith.constant 0 : i32
    return %arg0, %c0_i32, %c0_i32_0 : i32, i32, i32
  }
  func.func @transform_1(%arg0: i32) -> (i32, i32, i32) {
    %c0_i32 = arith.constant 0 : i32
    %c0_i32_0 = arith.constant 0 : i32
    %c0_i32_1 = arith.constant 0 : i32
    return %arg0, %c0_i32, %c0_i32_0 : i32, i32, i32
  }
  func.func @transform_2(%arg0: i32) -> (i32, i32) {
    %c0_i32 = arith.constant 0 : i32
    %c0_i32_0 = arith.constant 0 : i32
    return %arg0, %c0_i32 : i32, i32
  }
  func.func @transform_3(%arg0: i32) -> (i32, i32) {
    %c0_i32 = arith.constant 0 : i32
    %c0_i32_0 = arith.constant 0 : i32
    return %arg0, %c0_i32 : i32, i32
  }
  func.func @transform_4(%arg0: i32) -> (i32, i32) {
    %c0_i32 = arith.constant 0 : i32
    %c0_i32_0 = arith.constant 0 : i32
    return %arg0, %c0_i32 : i32, i32
  }
  func.func @transform_5(%arg0: i32) -> (i32, i32) {
    %c0_i32 = arith.constant 0 : i32
    %c0_i32_0 = arith.constant 0 : i32
    return %arg0, %c0_i32 : i32, i32
  }
}

</mosaic_0001>

<sc_bundles>
// kernel: kernel.5.cloned.1.call-start
scs
__scs_entry_jumppad:
0x0: {  	(pc) =	sbr.rel $0x88, $3  }
0x1: {  	(tag) =	ssettag $0x0;
	lr =	simm.s32 $0x1  }
0x2: {  	[smem:$0x3F9B] =	sst lr;
	_ =	strace $0xD0000000  }
0x3: {  	_ = 	snop  }
0x4: {  	_ = 	snop  }
0x5: {  	_ = 	snop  }
0x6: {  	_ = 	snop  }
0x7: {  	_ = 	snop  }
__scs_overlays_trampoline_lowered:
0x8: {  	[smem:$0x3FAA] =	sst s0  }
0x9: {  	[smem:$0x3FAB] =	sst s1  }
0xa: {  	[smem:$0x3FAC] =	sst s2  }
0xb: {  	[smem:$0x3FAD] =	sst s3  }
0xc: {  	[smem:$0x3FAE] =	sst s4  }
0xd: {  	[smem:$0x3FAF] =	sst s5  }
0xe: {  	[smem:$0x3FB0] =	sst s6  }
0xf: {  	[smem:$0x3FB1] =	sst s7  }
0x10: {  	[smem:$0x3FB2] =	sst s8  }
0x11: {  	[smem:$0x3FB3] =	sst s9;
	s0 =	simm.s32 @!p0 $0x0  }
0x12: {  	s1 =	sld [smem:$0x3F99];
	s0 =	simm.s32 @p0 $0x1  }
0x13: {  	[smem:$0x3FB4] =	sst s0;
	s0 =	simm.s32 @!p1 $0x0  }
0x14: {  	s2 =	sld [smem:$0x3F98];
	s0 =	simm.s32 @p1 $0x1  }
0x15: {  	[smem:$0x3FB5] =	sst s0;
	s0 =	simm.s32 @!p2 $0x0  }
0x16: {  	s3 =	sld [smem:$0x3FDB];
	s0 =	simm.s32 @p2 $0x1  }
0x17: {  	s4 =	simm.s32 $0x1BF5;
	[smem:$0x3FB7] =	sst s0  }
0x18: {  	s0 =	sld [smem:$0x3F9A];
	_ =	swait.ge [sflag:s4], $0x0  }
0x19: {  	s7 =	sld [smem:$0x3F9B]  }
0x1a: {  	s8 =	sadd.s32 $0xFFFFE003, lr  }
0x1b: {  	s9 =	sadd.s32 $0xFFFFFEF7, lr;
	s5 =	simm.s32 $0xFFFFFFFF;
	p2 =	slt.u32 s8, $0xFFFFF086  }
0x1c: {  	p1 =	slt.u32 s9, $0xF7A;
	s5 =	simm.s32 @!p2 $0x0  }
0x1d: {  	s5 =	simm.s32 @p1 $0x1;
	p0 =	seq.s32 s7, s2  }
0x1e: {  	s7 =	smul.u32 @!p0 $0xF7A, s2;
	p2 =	seq.s32 @!p0 s5, $0x0  }
0x1f: {  	s9 =	smul.u32 $0xF7A, s1;
	s8 =	simm.s32 @!p0 $0x1BF5;
	p2 =	por !p2, p0  }
0x20: {  	[sflag:s8] =	ssyncset.s32 @!p0 $0xFFFFF086;
	s6 =	sadd.s32 @!p0 s3, s7;
	s7 =	simm.s32 @!p0 $0x108  }
0x21: {  	s3 =	sadd.s32 s3, s9;
	s6 =	sadd.s32 @!p0 $0x88, s6;
	s7 =	simm.s32 @p2 $0x1082  }
0x22: {  	[simem:s7], [sflag:s8] =	dma.local @!p0 [hbm:s6], $0xF7A  }
0x23: {  	s9 =	sor.u32 $0xD0000000, s2;
	s6 =	simm.s32 $0x108;
	_ =	swait.ge @!p0 [sflag:s8], $0x0  }
0x24: {  	s3 =	sadd.s32 $0x88, s3;
	s6 =	simm.s32 @!p1 $0x1082;
	[sflag:s4] =	ssyncset.s32 $0xFFFFF086  }
0x25: {  	[simem:s6], [sflag:s4] =	dma.local [hbm:s3], $0xF7A  }
0x26: {  	[smem:$0x3F9B] =	sst s1;
	(tag) =	ssettag s2;
	_ =	strace s9  }
0x27: {  	s1 =	sld [smem:$0x3FAB]  }
0x28: {  	s2 =	sld [smem:$0x3FAC]  }
0x29: {  	s4 =	sld [smem:$0x3FAE]  }
0x2a: {  	p0 =	seq.s32 s5, $0x0;
	s5 =	sld [smem:$0x3FAF]  }
0x2b: {  	s6 =	sld [smem:$0x3FB0]  }
0x2c: {  	s7 =	sld [smem:$0x3FB1]  }
0x2d: {  	s3 =	simm.s32 $0x108;
	s8 =	sld [smem:$0x3FB2]  }
0x2e: {  	s3 =	simm.s32 @!p0 $0x1082;
	s9 =	sld [smem:$0x3FB3]  }
0x2f: {  	lr =	sadd.s32 s0, s3;
	s0 =	sld [smem:$0x3FAA]  }
0x30: {  	s3 =	sld [smem:$0x3FAD]  }
0x31: {  	[smem:$0x3FB6] =	sst s10  }
0x32: {  	s10 =	sld [smem:$0x3FB4];
	_ =	sdelay $0x3  }
0x33: {  	p0 =	seq.s32 s10, $0x1;
	s10 =	sld [smem:$0x3FB6];
	_ =	sdelay $0x3  }
0x34: {  	[smem:$0x3FB6] =	sst s10  }
0x35: {  	s10 =	sld [smem:$0x3FB5];
	_ =	sdelay $0x3  }
0x36: {  	p1 =	seq.s32 s10, $0x1;
	s10 =	sld [smem:$0x3FB6];
	_ =	sdelay $0x3  }
0x37: {  	[smem:$0x3FB6] =	sst s10  }
0x38: {  	s10 =	sld [smem:$0x3FB7]  }
0x39: {  	_ = 	snop;
	(pc) =	sbr.ind lr, $3  }
0x3a: {  	_ = 	snop  }
0x3b: {  	_ = 	snop  }
0x3c: {  	p2 =	seq.s32 s10, $0x1;
	s10 =	sld [smem:$0x3FB6]  }
0x3d: {  	_ =	shalt  }
0x3e: {  	_ =	shalt  }
0x3f: {  	_ =	shalt  }
0x40: {  	_ =	shalt  }
0x41: {  	_ =	shalt  }
0x42: {  	_ =	shalt  }
0x43: {  	_ =	shalt  }
0x44: {  	_ =	shalt  }
0x45: {  	_ =	shalt  }
0x46: {  	_ =	shalt  }
0x47: {  	_ =	shalt  }
0x48: {  	_ =	shalt  }
0x49: {  	_ =	shalt  }
0x4a: {  	_ =	shalt  }
0x4b: {  	_ =	shalt  }
0x4c: {  	_ =	shalt  }
0x4d: {  	_ =	shalt  }
0x4e: {  	_ =	shalt  }
0x4f: {  	_ =	shalt  }
0x50: {  	_ =	shalt  }
0x51: {  	_ =	shalt  }
0x52: {  	_ =	shalt  }
0x53: {  	_ =	shalt  }
0x54: {  	_ =	shalt  }
0x55: {  	_ =	shalt  }
0x56: {  	_ =	shalt  }
0x57: {  	_ =	shalt  }
0x58: {  	_ =	shalt  }
0x59: {  	_ =	shalt  }
0x5a: {  	_ =	shalt  }
0x5b: {  	_ =	shalt  }
0x5c: {  	_ =	shalt  }
0x5d: {  	_ =	shalt  }
0x5e: {  	_ =	shalt  }
0x5f: {  	_ =	shalt  }
0x60: {  	_ =	shalt  }
0x61: {  	_ =	shalt  }
0x62: {  	_ =	shalt  }
0x63: {  	_ =	shalt  }
0x64: {  	_ =	shalt  }
0x65: {  	_ =	shalt  }
0x66: {  	_ =	shalt  }
0x67: {  	_ =	shalt  }
0x68: {  	_ =	shalt  }
0x69: {  	_ =	shalt  }
0x6a: {  	_ =	shalt  }
0x6b: {  	_ =	shalt  }
0x6c: {  	_ =	shalt  }
0x6d: {  	_ =	shalt  }
0x6e: {  	_ =	shalt  }
0x6f: {  	_ =	shalt  }
0x70: {  	_ =	shalt  }
0x71: {  	_ =	shalt  }
0x72: {  	_ =	shalt  }
0x73: {  	_ =	shalt  }
0x74: {  	_ =	shalt  }
0x75: {  	_ =	shalt  }
0x76: {  	_ =	shalt  }
0x77: {  	_ =	shalt  }
0x78: {  	_ =	shalt  }
0x79: {  	_ =	shalt  }
0x7a: {  	_ =	shalt  }
0x7b: {  	_ =	shalt  }
0x7c: {  	_ =	shalt  }
0x7d: {  	_ =	shalt  }
0x7e: {  	_ =	shalt  }
0x7f: {  	_ =	shalt  }
0x80: {  	_ =	shalt  }
0x81: {  	_ =	shalt  }
0x82: {  	_ =	shalt  }
0x83: {  	_ =	shalt  }
0x84: {  	_ =	shalt  }
0x85: {  	_ =	shalt  }
0x86: {  	_ =	shalt  }
0x87: {  	_ =	shalt  }
.Lfunc_end0:
.L_simem_size_0:
called_computation_lowered:
.L_overlay_start_0:
0x88: {  	s2 =	sld [smem:$0x3FD9]  }
0x89: {  	s3 =	sld [smem:$0x3FFE];
	_ =	sdelay $0x1  }
0x8a: {  	s1 =	srdreg.scid  }
0x8b: {  	s0 =	sand.u32 $0x1, s1  }
0x8c: {  	s14 =	sshll.u32 s0, $0xA;
	s2 =	sadd.s32 s3, s2  }
0x8d: {  	s2 =	sadd.s32 s2, s14  }
0x8e: {  	[smem:$0x3FC2] =	sst s2  }
0x8f: {  	_ = 	snop  }
0x90: {  	s2 =	sld [smem:$0x3FD0];
	_ =	sdelay $0x1  }
0x91: {  	s15 =	sld [smem:$0x3FC7]  }
0x92: {  	s5 =	simm.s32 $0xA;
	s6 =	simm.s32 $0x10;
	s4 =	sld [smem:$0x3FC6]  }
0x93: {  	[smem:s6], [sflag:s5] =	dma.local [hbm:s2], $0x1  }
0x94: {  	_ =	swait.eq [sflag:s5], $0x1  }
0x95: {  	[sflag:s5] =	ssyncset.done $0x0  }
0x96: {  	[sflag:s5] =	ssyncadd.s32 $0xFFFFFFFF  }
0x97: {  	s16 =	sld [smem:$0x11];
	(tm) =	ssettm $0x1  }
0x98: {  	s17 =	sld [smem:$0x3FFB];
	_ =	sdelay $0x3  }
0x99: {  	_ =	strace s17  }
0x9a: {  	s5 =	sld [smem:$0x3FFC];
	_ =	sdelay $0x3  }
0x9b: {  	_ =	strace s5  }
0x9c: {  	s5 =	sld [smem:$0x3FFD];
	_ =	sdelay $0x3  }
0x9d: {  	_ =	strace s5  }
0x9e: {  	_ =	strace $0x8FFFFFFF  }
0x9f: {  	s18 =	sld [smem:$0x3FDB];
	_ =	sdelay $0x1  }
0xa0: {  	s19 =	simm.s32 $_scs_section_size  }
0xa1: {  	s7 =	simm.s32 $_size__tile_overlayer_lowered;
	s8 =	simm.s32 $_tile_overlayer_lowered  }
0xa2: {  	s22 =	simm.s32 $0x1BFF;
	s21 =	sshll.u32 s8, $0x1;
	s5 =	sadd.s32 s19, s18  }
0xa3: {  	s9 =	simm.s32 $0x0;
	s20 =	sshll.u32 s7, $0x1;
	s7 =	sadd.s32 s21, s5  }
0xa4: {  	[timem:s9], [sflag:s22] =	dma.local [hbm:s7], s20  }
0xa5: {  	_ =	swait.ge [sflag:s22], s20  }
0xa6: {  	s6 =	ssub.s32 $0x0, s20;
	[sflag:s22] =	ssyncset.done $0x0  }
0xa7: {  	[sflag:s22] =	ssyncadd.s32 s6;
	_ =	sdelay $0x1  }
0xa8: {  	s23 =	simm.s32 $0x1B8B  }
0xa9: {  	_ =	swait.ge [sflag:s23], $0x1  }
0xaa: {  	[sflag:s23] =	ssyncset.done $0x0  }
0xab: {  	s25 =	simm.s32 $0x1B8E;
	s24 =	sld [smem:$0x3FFE];
	[sflag:s23] =	ssyncadd.s32 $0xFFFFFFFF  }
0xac: {  	s26 =	simm.s32 $execute0_lowered;
	[smem:$0x3FD2] =	sst s25  }
0xad: {  	s7 =	sshll.u32 s26, $0x1;
	_ =	strace $0x80000046;
	[dreg:$0x1] =	wrdreg $0xFFFFFFFF  }
0xae: {  	s28 =	simm.s32 $_size_execute0_lowered;
	s5 =	sadd.s32 s5, s7;
	[dreg:$0x0] =	wrdreg $0x0  }
0xaf: {  	s7 =	sshll.u32 s28, $0x1;
	[dreg:$0x2] =	wrdreg s5  }
0xb0: {  	[dreg:$0x3] =	wrdreg s7  }
0xb1: {  	[dreg:$0x4] =	wrdreg $0xC0  }
0xb2: {  	_ =	task [dreg:s9], $0x5FFFF  }
0xb3: {  	[dreg:$0x1] =	wrdreg $0xFFFFFFFF  }
0xb4: {  	[dreg:$0x0] =	wrdreg $0x60  }
0xb5: {  	[dreg:$0x2] =	wrdreg s15  }
0xb6: {  	[dreg:$0x3] =	wrdreg s4  }
0xb7: {  	[dreg:$0x4] =	wrdreg s16  }
0xb8: {  	[dreg:$0x5] =	wrdreg s24  }
0xb9: {  	[dreg:$0x6] =	wrdreg $0x9  }
0xba: {  	_ =	task.clear_ibuf [dreg:s9], $0x7FFFF;
	_ =	strace $0x90000046  }
0xbb: {  	s29 =	simm.s32 $0x9;
	_ =	strace $0x80000048  }
0xbc: {  	_ =	swait.ge [sflag:s29], $0x1  }
0xbd: {  	[sflag:s29] =	ssyncadd.s32 $0xFFFFFFFF  }
0xbe: {  	_ =	strace $0x90000048  }
0xbf: {  	_ =	sfence  }
0xc0: {  	s30 =	sld [smem:$0x0];
	_ =	sdelay $0x2  }
0xc1: {  	s31 =	sshll.u32 s1, $0xD;
	s1 =	sshrl.u32 s1, $0x2  }
0xc2: {  	s3 =	sand.u32 $0x4000, s31;
	s1 =	sadd.s32 s1, s30  }
0xc3: {  	s0 =	sor.u32 s3, s0;
	s1 =	sshll.u32 s1, $0x11  }
0xc4: {  	s0 =	sor.u32 s1, s0  }
0xc5: {  	s0 =	sadd.s32 $0x8F2B, s0  }
0xc6: {  	[sflag:s0] =	ssyncadd.remote.s32 $0x1  }
0xc7: {  	_ =	sfence.sel $0xFFFF  }
0xc8: {  	[dreg:$0x0] =	wrdreg $0xFFFFFFFF;
	(pc) =	sbr.abs _section_cstart, $3  }
0xc9: {  	[dreg:$0x1] =	wrdreg $0xFFFFFFFF  }
0xca: {  	_ =	task.clear_ibuf [dreg:s9], $0x2FFFF;
	_ =	strace $0x9FFFFFFF  }
0xcb: {  	(tm) =	ssettm $0x7FFFFFFF  }
tec
execute0_lowered:
.L_overlay_start_1:
0x0: {  	(tag) =	ssettag $0x1  }
0x1: {  	s1 =	rddreg [dreg:$0x0]  }
0x2: {  	s2 =	rddreg [dreg:$0x1]  }
0x3: {  	s3 =	srdreg.scid;
	s0 =	stileid.u32  }
0x4: {  	s5 =	rddreg [dreg:$0x2];
	s18 =	sand.u32 $0x1, s3;
	s30 =	sshll.u32 s0, $0x1  }
0x5: {  	s19 =	rddreg [dreg:$0x3];
	s20 =	sor.u32 s18, s30  }
0x6: {  	s4 =	simm.s32 $0x0;
	s3 =	rddreg [dreg:$0x4];
	s6 =	smul.u32 $0x28, s20  }
0x7: {  	[smem:$0x7FF] =	sst s4  }
0x8: {  	_ =	strace $0x80000047;
	s6 =	sadd.s32 s5, s6;
	s5 =	simm.s32 $0x3  }
0x9: {  	[tilespmem:s4], [sflag:$0x3] =	stream.linear.gather [hbm4b:s6+s4], $0x140, $0x38;
	[tilespmem:$0x14180] =	vst v63  }
0xa: {  	_ =	swait.ge [sflag:s5], $0x140  }
0xb: {  	[sflag:s5] =	ssyncset.done $0x0  }
0xc: {  	s7 =	simm.s32 $0x80;
	s8 =	simm.s32 $0x180;
	[sflag:s5] =	ssyncadd.s32 $0xFFFFFEC0  }
0xd: {  	[tilespmem:s8], [sflag:$0x1] =	stream.indirect.gather [hbm4b:s1+s7], $0x80, s4, s7, $0xb8;
	[tilespmem:$0x14180] =	vst v63  }
0xe: {  	s9 =	simm.s32 $0xA180;
	s10 =	simm.s32 $0x1  }
0xf: {  	[tilespmem:s9], [sflag:$0x2] =	stream.indirect.gather [hbm4b:s2+s7], $0x80, s4, s7, $0xb8;
	[tilespmem:$0x14180] =	vst v63  }
0x10: {  	_ =	swait.ge [sflag:s10], $0x4000  }
0x11: {  	[sflag:s10] =	ssyncset.done $0x0  }
0x12: {  	s11 =	simm.s32 $0x2;
	[sflag:s10] =	ssyncadd.s32 $0xFFFFC000  }
0x13: {  	_ =	swait.ge [sflag:s11], $0x4000  }
0x14: {  	[sflag:s11] =	ssyncset.done $0x0  }
0x15: {  	s12 =	simm.s32 $0x4180;
	[sflag:s11] =	ssyncadd.s32 $0xFFFFC000  }
0x16: {  	[tilespmem:s12], [sflag:$0x1] =	stream.indirect.gather [hbm4b:s1+s7], $0x80, s7, s7, $0xb8;
	[tilespmem:$0x14180] =	vst v63  }
0x17: {  	s13 =	simm.s32 $0xE180  }
0x18: {  	[tilespmem:s13], [sflag:$0x2] =	stream.indirect.gather [hbm4b:s2+s7], $0x80, s7, s7, $0xb8;
	[tilespmem:$0x14180] =	vst v63  }
0x19: {  	_ =	swait.ge [sflag:s10], $0x4000  }
0x1a: {  	[sflag:s10] =	ssyncset.done $0x0  }
0x1b: {  	[sflag:s10] =	ssyncadd.s32 $0xFFFFC000  }
0x1c: {  	_ =	swait.ge [sflag:s11], $0x4000  }
0x1d: {  	s14 =	simm.s32 $0x40;
	[sflag:s11] =	ssyncset.done $0x0  }
0x1e: {  	s15 =	simm.s32 $0x100;
	s16 =	simm.s32 $0x8180;
	[sflag:s11] =	ssyncadd.s32 $0xFFFFC000  }
0x1f: {  	[tilespmem:s16], [sflag:$0x1] =	stream.indirect.gather [hbm4b:s1+s14], $0x80, s15, s14, $0xb8;
	[tilespmem:$0x14180] =	vst v63  }
0x20: {  	s17 =	simm.s32 $0x12180  }
0x21: {  	[tilespmem:s17], [sflag:$0x2] =	stream.indirect.gather [hbm4b:s2+s14], $0x80, s15, s14, $0xb8;
	[tilespmem:$0x14180] =	vst v63  }
0x22: {  	_ =	swait.ge [sflag:s10], $0x2000  }
0x23: {  	[sflag:s10] =	ssyncset.done $0x0  }
0x24: {  	s31 =	ssub.s32 $0x2, s18;
	s20 =	smul.u32 $0x1400, s20;
	[sflag:s10] =	ssyncadd.s32 $0xFFFFE000  }
0x25: {  	s21 =	sshrl.u32 s31, $0x1;
	_ =	swait.ge [sflag:s11], $0x2000  }
0x26: {  	s19 =	sadd.s32 s20, s19;
	s20 =	ssub.s32 s31, s21;
	[sflag:s11] =	ssyncset.done $0x0  }
0x27: {  	s18 =	sadd.s32 $0x800, s19;
	s20 =	smax.u32 s20, $0x1;
	[sflag:s11] =	ssyncadd.s32 $0xFFFFE000  }
0x28: {  	[hbm4b:s18+s4] =	stream.linear.scatter [tilespmem:s8], [sflag:$0x3], $0xA000, $0x38;
	[tilespmem:$0x14180] =	vst v63  }
0x29: {  	p0 =	sne.s32 s20, $0x1;
	_ =	swait.ge [sflag:s5], $0xA000  }
.Ltmp0:
0x2a: {  	[sflag:s5] =	ssyncset.done $0x0;
	(pc) =	sbr.rel @!p0 .LBB2_2-.Ltmp0, $4  }
0x2b: {  	s19 =	sadd.s32 $0x28800, s19;
	[sflag:s5] =	ssyncadd.s32 $0xFFFF6000  }
0x2c: {  	[hbm4b:s19+s4] =	stream.linear.scatter [tilespmem:s9], [sflag:$0x3], $0xA000, $0x38;
	[tilespmem:$0x14180] =	vst v63  }
0x2d: {  	_ =	swait.ge [sflag:s5], $0xA000  }
0x2e: {  	s20 =	sadd.s32 $0xFFFFFFFF, s20;
	[sflag:s5] =	ssyncset.done $0x0  }
.LBB2_1:
0x2f: {  	p0 =	sne.s32 s20, $0x1;
	s20 =	sadd.s32 $0xFFFFFFFF, s20;
	[sflag:s5] =	ssyncadd.s32 $0xFFFF6000  }
0x30: {  	[tilespmem:s4], [sflag:$0x3] =	stream.linear.gather [hbm4b:s6+s4], $0x140, $0x38;
	[tilespmem:$0x14180] =	vst v63  }
0x31: {  	_ =	swait.ge [sflag:s5], $0x140  }
0x32: {  	[sflag:s5] =	ssyncset.done $0x0  }
0x33: {  	[sflag:s5] =	ssyncadd.s32 $0xFFFFFEC0  }
0x34: {  	[tilespmem:s8], [sflag:$0x1] =	stream.indirect.gather [hbm4b:s1+s7], $0x80, s4, s7, $0xb8;
	[tilespmem:$0x14180] =	vst v63  }
0x35: {  	_ = 	snop  }
0x36: {  	[tilespmem:s9], [sflag:$0x2] =	stream.indirect.gather [hbm4b:s2+s7], $0x80, s4, s7, $0xb8;
	[tilespmem:$0x14180] =	vst v63  }
0x37: {  	_ =	swait.ge [sflag:s10], $0x4000  }
0x38: {  	[sflag:s10] =	ssyncset.done $0x0  }
0x39: {  	[sflag:s10] =	ssyncadd.s32 $0xFFFFC000  }
0x3a: {  	_ =	swait.ge [sflag:s11], $0x4000  }
0x3b: {  	[sflag:s11] =	ssyncset.done $0x0  }
0x3c: {  	[sflag:s11] =	ssyncadd.s32 $0xFFFFC000  }
0x3d: {  	[tilespmem:s12], [sflag:$0x1] =	stream.indirect.gather [hbm4b:s1+s7], $0x80, s7, s7, $0xb8;
	[tilespmem:$0x14180] =	vst v63  }
0x3e: {  	_ = 	snop  }
0x3f: {  	[tilespmem:s13], [sflag:$0x2] =	stream.indirect.gather [hbm4b:s2+s7], $0x80, s7, s7, $0xb8;
	[tilespmem:$0x14180] =	vst v63  }
0x40: {  	_ =	swait.ge [sflag:s10], $0x4000  }
0x41: {  	[sflag:s10] =	ssyncset.done $0x0  }
0x42: {  	[sflag:s10] =	ssyncadd.s32 $0xFFFFC000  }
0x43: {  	_ =	swait.ge [sflag:s11], $0x4000  }
0x44: {  	[sflag:s11] =	ssyncset.done $0x0  }
0x45: {  	[sflag:s11] =	ssyncadd.s32 $0xFFFFC000  }
0x46: {  	[tilespmem:s16], [sflag:$0x1] =	stream.indirect.gather [hbm4b:s1+s14], $0x80, s15, s14, $0xb8;
	[tilespmem:$0x14180] =	vst v63  }
0x47: {  	_ = 	snop  }
0x48: {  	[tilespmem:s17], [sflag:$0x2] =	stream.indirect.gather [hbm4b:s2+s14], $0x80, s15, s14, $0xb8;
	[tilespmem:$0x14180] =	vst v63  }
0x49: {  	_ =	swait.ge [sflag:s10], $0x2000  }
0x4a: {  	[sflag:s10] =	ssyncset.done $0x0  }
0x4b: {  	[sflag:s10] =	ssyncadd.s32 $0xFFFFE000  }
0x4c: {  	_ =	swait.ge [sflag:s11], $0x2000  }
0x4d: {  	[sflag:s11] =	ssyncset.done $0x0  }
0x4e: {  	[sflag:s11] =	ssyncadd.s32 $0xFFFFE000  }
0x4f: {  	[hbm4b:s18+s4] =	stream.linear.scatter [tilespmem:s8], [sflag:$0x3], $0xA000, $0x38;
	[tilespmem:$0x14180] =	vst v63  }
0x50: {  	_ =	swait.ge [sflag:s5], $0xA000  }
.Ltmp1:
0x51: {  	[sflag:s5] =	ssyncset.done $0x0;
	(pc) =	sbr.rel @p0 .LBB2_1-.Ltmp1, $4  }
0x52: {  	[sflag:s5] =	ssyncadd.s32 $0xFFFF6000  }
0x53: {  	[hbm4b:s19+s4] =	stream.linear.scatter [tilespmem:s9], [sflag:$0x3], $0xA000, $0x38;
	[tilespmem:$0x14180] =	vst v63  }
0x54: {  	_ =	swait.ge [sflag:s5], $0xA000  }
0x55: {  	[sflag:s5] =	ssyncset.done $0x0  }
.LBB2_2:
0x56: {  	[sflag:s5] =	ssyncadd.s32 $0xFFFF6000  }
0x57: {  	_ =	sfence.sel $0x180000  }
0x58: {  	[bflag:$0x0] =	sbarrier.arrive $0xFFFF  }
0x59: {  	p0 =	sne.s32 s0, $0x0;
	_ =	strace $0x90000047  }
0x5a: {  	s0 =	sadd.s32 @!p0 $0x100000, s3;
	[bflag:$0x2] =	sbarrier.arrive $0xFFFF  }
0x5b: {  	[sflag:s0] =	ssyncadd.tile.s32 @!p0 $0x1;
	_ =	shalt  }
.Lfunc_end2:
_tile_overlayer_lowered:
.L_overlay_start_2:
0x5c: {  	(tag) =	ssettag $0x2  }
0x5d: {  	s0 =	rddreg [dreg:$0x0];
	s2 =	stileid.u32  }
0x5e: {  	s1 =	rddreg [dreg:$0x1];
	p0 =	sne.s32 s2, $0x0  }
0x5f: {  	s3 =	rddreg [dreg:$0x2];
	[bflag:$0x3] =	sbarrier.arrive $0xFFFF;
	s2 =	simm.s32 @!p0 $0x1C03  }
0x60: {  	[timem:s3], [sflag:s2] =	dma.local @!p0 [hbm:s0], s1  }
0x61: {  	s0 =	simm.s32 @!p0 $0x3  }
0x62: {  	_ =	swait.ge @!p0 [sflag:s0], s1  }
0x63: {  	s1 =	ssub.s32 @!p0 $0x0, s1;
	[sflag:s0] =	ssyncset.done @!p0 $0x0  }
0x64: {  	[sflag:s0] =	ssyncadd.s32 @!p0 s1  }
0x65: {  	[bflag:$0x3] =	sbarrier.arrive $0xFFFF  }
0x66: {  	_ =	shalt  }

</sc_bundles>
